<compile_context>
chip_gen: v7x
topology: tpu7x:2x2x1
jax: 0.10.2.dev20260603
libtpu: 0.0.44.dev20260713+nightly
codegen_flags: <defaults>
</compile_context>

<pallas_src>
import functools

import jax
import jax.numpy as jnp
from jax import lax
from jax.experimental import pallas as pl
from jax.experimental.pallas import tpu as pltpu
from jax.experimental.pallas import tpu_sc as plsc

N = 10000
D = 128
E = 320000

NC = 2
NS = 16
NW = NC * NS

CHUNK = 128
CPW = 78
EPW = CPW * CHUNK
TAIL = NW * EPW
NTAIL = (E - TAIL) // CHUNK
ZR = 640
N_ACC = NS * ZR

_mesh = plsc.VectorSubcoreMesh(core_axis_name="c", subcore_axis_name="s")



N_HR = 128


@functools.partial(
    pl.kernel,
    out_type=jax.ShapeDtypeStruct((NC, N_HR, 128), jnp.float32),
    mesh=_mesh,
    scratch_types=[
        pltpu.VMEM((EPW + CHUNK,), jnp.int32),
        pltpu.VMEM((N_HR, 128), jnp.float32),
        pltpu.VMEM((N_HR,), jnp.int32),
        pltpu.VMEM_SHARED((N_HR, 128), jnp.float32),
    ],
    compiler_params=pltpu.CompilerParams(needs_layout_passes=False),
)
def _deg_kernel(ei_hbm, out_hbm, idx_v, hist_v, id_v, hist_sh):
    cid = lax.axis_index("c")
    sid = lax.axis_index("s")
    wid = sid * NC + cid
    pltpu.sync_copy(
        ei_hbm.at[1, pl.ds(wid * EPW, EPW)], idx_v.at[pl.ds(0, EPW)]
    )

    @pl.when(wid < NTAIL)
    def _():
        pltpu.sync_copy(
            ei_hbm.at[1, pl.ds(TAIL + wid * CHUNK, CHUNK)],
            idx_v.at[pl.ds(EPW, CHUNK)],
        )

    zeros16 = jnp.zeros((16,), jnp.float32)
    ones16 = jnp.ones((16,), jnp.float32)

    @pl.loop(0, N_HR)
    def _(i):
        for j in range(8):
            hist_v[i, pl.ds(j * 16, 16)] = zeros16

    @pl.loop(0, N_HR // 16)
    def _(k):
        id_v[pl.ds(k * 16, 16)] = lax.iota(jnp.int32, 16) + k * 16

    @pl.when(sid == 0)
    def _():
        pltpu.sync_copy(hist_v, hist_sh)

    plsc.subcore_barrier()

    def add_hist(e):
        v = idx_v[pl.ds(e * 16, 16)]
        plsc.addupdate_scatter(
            hist_v,
            [lax.shift_right_logical(v, 7), jnp.bitwise_and(v, 127)],
            ones16,
        )

    @pl.loop(0, EPW // 16 // 4)
    def _(q):
        for u in range(4):
            add_hist(q * 4 + u)

    @pl.when(wid < NTAIL)
    def _():
        @pl.loop(EPW // 16, (EPW + CHUNK) // 16)
        def _(e):
            add_hist(e)

    pltpu.sync_copy(hist_v, hist_sh.at[id_v], add=True)
    plsc.subcore_barrier()
    pltpu.sync_copy(
        hist_sh.at[pl.ds(sid * 8, 8)], out_hbm.at[cid, pl.ds(sid * 8, 8)]
    )



@functools.partial(
    pl.kernel,
    out_type=jax.ShapeDtypeStruct((NC, N_ACC, D), jnp.float32),
    mesh=_mesh,
    scratch_types=[
        pltpu.VMEM((2, CHUNK), jnp.int32),
        pltpu.VMEM((2, CHUNK), jnp.int32),
        pltpu.VMEM((2, CHUNK), jnp.int32),
        pltpu.VMEM((CHUNK, D), jnp.float32),
        pltpu.VMEM((CHUNK, D), jnp.float32),
        pltpu.VMEM_SHARED((N_ACC, D), jnp.float32),
        pltpu.SemaphoreType.DMA,
        pltpu.SemaphoreType.DMA,
        pltpu.SemaphoreType.DMA,
        pltpu.SemaphoreType.DMA,
        pltpu.SemaphoreType.DMA,
    ],
)
def _agg_kernel(ei_hbm, g_hbm, zeros_hbm, out_hbm,
                p0, p1, p2, rows_a, rows_b, acc_sh,
                sg_a, sg_b, sp0, sp1, sp2):
    cid = lax.axis_index("c")
    sid = lax.axis_index("s")
    wid = sid * NC + cid
    base = wid * EPW
    pairs = (p0, p1, p2)
    psems = (sp0, sp1, sp2)
    rows = (rows_a, rows_b)
    gsems = (sg_a, sg_b)

    pltpu.sync_copy(zeros_hbm, acc_sh.at[pl.ds(sid * ZR, ZR)])
    plsc.subcore_barrier()

    def pload(i, j):
        return pltpu.make_async_copy(
            ei_hbm.at[:, pl.ds(i * CHUNK, CHUNK)], pairs[j], psems[j]
        )

    def gather(j, r):
        return pltpu.make_async_copy(
            g_hbm.at[pairs[j].at[0]], rows[r], gsems[r]
        )

    for j in range(3):
        pload(base // CHUNK + j, j).start()
    for j in range(2):
        pload(0, j).wait()
        gather(j, j).start()

    cbase = base // CHUNK
    not_last = lambda k: k < CPW // 6 - 1

    @pl.loop(0, CPW // 6)
    def _(k):
        i = k * 6
        for j in range(6):
            r, pj = j % 2, j % 3

            def refill(i=i, j=j, pj=pj, r=r):
                pload(cbase + i + j + 3, pj).start()

            def next_gather(i=i, j=j, pj=pj, r=r):
                pload(0, (j + 2) % 3).wait()
                gather((j + 2) % 3, r).start()

            gather(pj, r).wait()
            pltpu.sync_copy(rows[r], acc_sh.at[pairs[pj].at[1]], add=True)
            if j < 3:
                refill()
            else:
                pl.when(not_last(k))(refill)
            if j < 4:
                next_gather()
            else:
                pl.when(not_last(k))(next_gather)

    @pl.when(wid < NTAIL)
    def _():
        pltpu.sync_copy(
            ei_hbm.at[:, pl.ds(TAIL + wid * CHUNK, CHUNK)], pairs[0]
        )
        gather(0, 0).start()
        gather(0, 0).wait()
        pltpu.sync_copy(rows[0], acc_sh.at[pairs[0].at[1]], add=True)

    plsc.subcore_barrier()
    pltpu.sync_copy(
        acc_sh.at[pl.ds(sid * ZR, ZR)], out_hbm.at[cid, pl.ds(sid * ZR, ZR)]
    )



_BR = 2048
_GRID = (N + _BR - 1) // _BR


def _scale_body(x_ref, w_ref, d_ref, g_ref, dinv_ref):
    h = jnp.dot(x_ref[...], w_ref[...], preferred_element_type=jnp.float32)
    dinv = lax.rsqrt(d_ref[0] + d_ref[1] + 1.0)
    dinv_ref[...] = dinv
    g3 = h.reshape(_BR // 128, 128, D) * dinv[:, :, None]
    g_ref[...] = g3.reshape(_BR, D)


def _epilogue_body(dinv_ref, g_ref, acc_ref, b_ref, o_ref):
    s = acc_ref[0] + acc_ref[1] + g_ref[...]
    o3 = s.reshape(_BR // 128, 128, D) * dinv_ref[...][:, :, None]
    o_ref[...] = o3.reshape(_BR, D) + b_ref[...]


def kernel(x, edge_index, W, b):
    ei = edge_index.astype(jnp.int32)

    zerosD = jnp.zeros((ZR, D), jnp.float32)

    deg3 = _deg_kernel(ei)

    row_spec = pl.BlockSpec((_BR, D), lambda i: (i, 0))
    deg_spec = pl.BlockSpec((NC, _BR // 128, 128), lambda i: (0, i, 0))
    dinv_spec = pl.BlockSpec((_BR // 128, 128), lambda i: (i, 0))
    g, dinv = pl.pallas_call(
        _scale_body,
        grid=(_GRID,),
        in_specs=[
            row_spec,
            pl.BlockSpec((D, D), lambda i: (0, 0)),
            deg_spec,
        ],
        out_specs=[row_spec, dinv_spec],
        out_shape=[
            jax.ShapeDtypeStruct((N, D), jnp.float32),
            jax.ShapeDtypeStruct((_GRID * _BR // 128, 128), jnp.float32),
        ],
    )(x, W, deg3)

    acc = _agg_kernel(ei, g, zerosD)

    out = pl.pallas_call(
        _epilogue_body,
        grid=(_GRID,),
        in_specs=[
            dinv_spec,
            row_spec,
            pl.BlockSpec((NC, _BR, D), lambda i: (0, i, 0)),
            pl.BlockSpec((1, D), lambda i: (0, 0)),
        ],
        out_specs=row_spec,
        out_shape=jax.ShapeDtypeStruct((N, D), jnp.float32),
    )(dinv, g, acc, b.reshape(1, D))
    return out

# --- scband reference (transcript-rebuilt; emitter-appended) ---
"""Pipeline reference for scband-shallow-encoder-12472585028189 (READ-ONLY COPY).

The authoritative reference and input builder live on the scoring server;
editing this copy changes nothing except your own understanding.
"""

import jax, jax.numpy as jnp
import numpy as np

N_NODES = 10000
N_EDGES = 320000
D_IN = 128
D_OUT = 128


def setup_inputs(seed: int = 0) -> dict:
    key = jax.random.key(seed)
    k1, k2, k3, k4 = jax.random.split(key, 4)
    x = jax.random.normal(k1, (N_NODES, D_IN), dtype=jnp.float32)
    edge_index = jax.random.randint(k2, (2, N_EDGES), 0, N_NODES, dtype=jnp.int64)
    # GCNConv linear weight (glorot) and bias (zeros in PyG default)
    limit = float(np.sqrt(6.0 / (D_IN + D_OUT)))
    W = jax.random.uniform(k3, (D_IN, D_OUT), dtype=jnp.float32, minval=-limit, maxval=limit)
    b = jnp.zeros((D_OUT,), dtype=jnp.float32)
    return {"x": x, "edge_index": edge_index, "W": W, "b": b}


def reference(x, edge_index, W, b):
    # Faithful GCNConv (PyG semantics): add self-loops, symmetric normalization,
    # linear transform, scatter-add aggregation at destination, then bias.
    N = x.shape[0]
    src = edge_index[0]
    dst = edge_index[1]
    loop = jnp.arange(N, dtype=edge_index.dtype)
    src = jnp.concatenate([src, loop], axis=0)
    dst = jnp.concatenate([dst, loop], axis=0)
    # degree on destination nodes (edge_weight = 1)
    deg = jnp.zeros((N,), dtype=x.dtype).at[dst].add(1.0)
    deg_inv_sqrt = jnp.where(deg > 0, jax.lax.rsqrt(jnp.maximum(deg, 1e-12)), 0.0)
    norm = deg_inv_sqrt[src] * deg_inv_sqrt[dst]
    # linear transform then propagate
    h = x @ W
    msg = h[src] * norm[:, None]
    out = jnp.zeros((N, h.shape[1]), dtype=h.dtype).at[dst].add(msg)
    return out + b

if __name__ == "__main__":
    import jax
    _d = setup_inputs()
    print(jax.jit(kernel)(*tuple(_d.values())))

</pallas_src>

<mosaic_0001>
#map = affine_map<(d0, d1) -> (0, 0)>
#map1 = affine_map<(d0, d1) -> (0, 0, 0)>
module attributes {stable_mosaic.version = 14 : i64} {
  func.func @_deg_kernel(%arg0: i32, %arg1: i32, %arg2: memref<2x320000xi32, #tpu.memory_space<hbm>>, %arg3: memref<2x128x128xf32, #tpu.memory_space<hbm>>, %arg4: memref<10112xi32, #tpu.memory_space<vmem>>, %arg5: memref<128x128xf32, #tpu.memory_space<vmem>>, %arg6: memref<128xi32, #tpu.memory_space<vmem>>, %arg7: memref<128x128xf32, #tpu.memory_space<vmem_shared>>) attributes {dimension_semantics = [#tpu.dimension_semantics<core_parallel>, #tpu.dimension_semantics<subcore_parallel>], iteration_bounds = array<i64: 2, 16>, scalar_prefetch = 0 : i64, scratch_operands = 4 : i64, tpu.core_type = #tpu.core_type<sc_vector_subcore>, window_params = [{transform_indices = #map}, {transform_indices = #map1}]} {
    %mul3A = arith.constant 2 : i32
    %mul3A_0 = arith.muli %arg1, %mul3A : i32
    %add3A = arith.addi %mul3A_0, %arg0 : i32
    %mul3A_1 = arith.constant 9984 : i32
    %mul3A_2 = arith.muli %add3A, %mul3A_1 : i32
    %run_scoped3A = arith.constant 1 : i32
    "tpu.region"() ({
      %run_scoped3A_36 = tpu.sem_alloc : memref<!tpu.dma_semaphore, #tpu.memory_space<semaphore_mem>>
      %dma_start3A = arith.constant 0 : i32
      %dma_start3A_37 = tpu.memref_slice %arg4[%dma_start3A] : memref<10112xi32, #tpu.memory_space<vmem>> -> memref<9984xi32, #tpu.memory_space<vmem>>
      %dma_start3A_38 = tpu.memref_slice %arg2[%run_scoped3A, %mul3A_2] : memref<2x320000xi32, #tpu.memory_space<hbm>> -> memref<1x9984xi32, #tpu.memory_space<hbm>>
      %dma_start3A_39 = tpu.memref_squeeze %dma_start3A_38 : memref<1x9984xi32, #tpu.memory_space<hbm>> -> memref<9984xi32, #tpu.memory_space<hbm>>
      %dma_start3A_40 = arith.constant 0 : i32
      %dma_start3A_41 = tpu.memref_slice %arg4[%dma_start3A_40] : memref<10112xi32, #tpu.memory_space<vmem>> -> memref<9984xi32, #tpu.memory_space<vmem>>
      %dma_start3A_42 = tpu.memref_slice %arg2[%run_scoped3A, %mul3A_2] : memref<2x320000xi32, #tpu.memory_space<hbm>> -> memref<1x9984xi32, #tpu.memory_space<hbm>>
      %dma_start3A_43 = tpu.memref_squeeze %dma_start3A_42 : memref<1x9984xi32, #tpu.memory_space<hbm>> -> memref<9984xi32, #tpu.memory_space<hbm>>
      tpu.enqueue_dma source(%dma_start3A_43 : memref<9984xi32, #tpu.memory_space<hbm>>) target(%dma_start3A_41 : memref<9984xi32, #tpu.memory_space<vmem>>) target_semaphore(%run_scoped3A_36 : memref<!tpu.dma_semaphore, #tpu.memory_space<semaphore_mem>>)
      %dma_wait3A = arith.constant 0 : i32
      %dma_wait3A_44 = tpu.memref_slice %arg4[%dma_wait3A] : memref<10112xi32, #tpu.memory_space<vmem>> -> memref<9984xi32, #tpu.memory_space<vmem>>
      %dma_wait3A_45 = tpu.memref_slice %arg2[%run_scoped3A, %mul3A_2] : memref<2x320000xi32, #tpu.memory_space<hbm>> -> memref<1x9984xi32, #tpu.memory_space<hbm>>
      %dma_wait3A_46 = tpu.memref_squeeze %dma_wait3A_45 : memref<1x9984xi32, #tpu.memory_space<hbm>> -> memref<9984xi32, #tpu.memory_space<hbm>>
      %dma_wait3A_47 = arith.constant 0 : i32
      %dma_wait3A_48 = tpu.memref_slice %arg4[%dma_wait3A_47] : memref<10112xi32, #tpu.memory_space<vmem>> -> memref<9984xi32, #tpu.memory_space<vmem>>
      %dma_wait3A_49 = tpu.memref_slice %arg2[%run_scoped3A, %mul3A_2] : memref<2x320000xi32, #tpu.memory_space<hbm>> -> memref<1x9984xi32, #tpu.memory_space<hbm>>
      %dma_wait3A_50 = tpu.memref_squeeze %dma_wait3A_49 : memref<1x9984xi32, #tpu.memory_space<hbm>> -> memref<9984xi32, #tpu.memory_space<hbm>>
      tpu.wait_dma2 semaphore(%run_scoped3A_36 : memref<!tpu.dma_semaphore, #tpu.memory_space<semaphore_mem>>) src(%dma_wait3A_50 : memref<9984xi32, #tpu.memory_space<hbm>>) dst(%dma_wait3A_48 : memref<9984xi32, #tpu.memory_space<vmem>>)
      tpu.yield
    }) : () -> ()
    %lt3A = arith.constant 4 : i32
    %lt3A_3 = arith.cmpi slt, %add3A, %lt3A : i32
    %convert_element_type3A = arith.extui %lt3A_3 : i1 to i32
    %cond3A = arith.constant 0 : i32
    %cond3A_4 = arith.cmpi ne, %convert_element_type3A, %cond3A : i32
    scf.if %cond3A_4 {
      %mul3A_36 = arith.constant 128 : i32
      %mul3A_37 = arith.muli %add3A, %mul3A_36 : i32
      %add3A_38 = arith.constant 319488 : i32
      %add3A_39 = arith.addi %add3A_38, %mul3A_37 : i32
      %run_scoped3A_40 = arith.constant 1 : i32
      "tpu.region"() ({
        %run_scoped3A_41 = tpu.sem_alloc : memref<!tpu.dma_semaphore, #tpu.memory_space<semaphore_mem>>
        %dma_start3A = arith.constant 9984 : i32
        %dma_start3A_42 = tpu.memref_slice %arg4[%dma_start3A] : memref<10112xi32, #tpu.memory_space<vmem>> -> memref<128xi32, #tpu.memory_space<vmem>>
        %dma_start3A_43 = tpu.memref_slice %arg2[%run_scoped3A_40, %add3A_39] : memref<2x320000xi32, #tpu.memory_space<hbm>> -> memref<1x128xi32, #tpu.memory_space<hbm>>
        %dma_start3A_44 = tpu.memref_squeeze %dma_start3A_43 : memref<1x128xi32, #tpu.memory_space<hbm>> -> memref<128xi32, #tpu.memory_space<hbm>>
        %dma_start3A_45 = arith.constant 9984 : i32
        %dma_start3A_46 = tpu.memref_slice %arg4[%dma_start3A_45] : memref<10112xi32, #tpu.memory_space<vmem>> -> memref<128xi32, #tpu.memory_space<vmem>>
        %dma_start3A_47 = tpu.memref_slice %arg2[%run_scoped3A_40, %add3A_39] : memref<2x320000xi32, #tpu.memory_space<hbm>> -> memref<1x128xi32, #tpu.memory_space<hbm>>
        %dma_start3A_48 = tpu.memref_squeeze %dma_start3A_47 : memref<1x128xi32, #tpu.memory_space<hbm>> -> memref<128xi32, #tpu.memory_space<hbm>>
        tpu.enqueue_dma source(%dma_start3A_48 : memref<128xi32, #tpu.memory_space<hbm>>) target(%dma_start3A_46 : memref<128xi32, #tpu.memory_space<vmem>>) target_semaphore(%run_scoped3A_41 : memref<!tpu.dma_semaphore, #tpu.memory_space<semaphore_mem>>)
        %dma_wait3A = arith.constant 9984 : i32
        %dma_wait3A_49 = tpu.memref_slice %arg4[%dma_wait3A] : memref<10112xi32, #tpu.memory_space<vmem>> -> memref<128xi32, #tpu.memory_space<vmem>>
        %dma_wait3A_50 = tpu.memref_slice %arg2[%run_scoped3A_40, %add3A_39] : memref<2x320000xi32, #tpu.memory_space<hbm>> -> memref<1x128xi32, #tpu.memory_space<hbm>>
        %dma_wait3A_51 = tpu.memref_squeeze %dma_wait3A_50 : memref<1x128xi32, #tpu.memory_space<hbm>> -> memref<128xi32, #tpu.memory_space<hbm>>
        %dma_wait3A_52 = arith.constant 9984 : i32
        %dma_wait3A_53 = tpu.memref_slice %arg4[%dma_wait3A_52] : memref<10112xi32, #tpu.memory_space<vmem>> -> memref<128xi32, #tpu.memory_space<vmem>>
        %dma_wait3A_54 = tpu.memref_slice %arg2[%run_scoped3A_40, %add3A_39] : memref<2x320000xi32, #tpu.memory_space<hbm>> -> memref<1x128xi32, #tpu.memory_space<hbm>>
        %dma_wait3A_55 = tpu.memref_squeeze %dma_wait3A_54 : memref<1x128xi32, #tpu.memory_space<hbm>> -> memref<128xi32, #tpu.memory_space<hbm>>
        tpu.wait_dma2 semaphore(%run_scoped3A_41 : memref<!tpu.dma_semaphore, #tpu.memory_space<semaphore_mem>>) src(%dma_wait3A_55 : memref<128xi32, #tpu.memory_space<hbm>>) dst(%dma_wait3A_53 : memref<128xi32, #tpu.memory_space<vmem>>)
        tpu.yield
      }) : () -> ()
    } else {
    }
    %broadcast_in_dim3A = arith.constant 0.000000e+00 : f32
    %broadcast_in_dim3A_5 = vector.broadcast %broadcast_in_dim3A : f32 to vector<16xf32>
    %broadcast_in_dim3A_6 = arith.constant 1.000000e+00 : f32
    %broadcast_in_dim3A_7 = vector.broadcast %broadcast_in_dim3A_6 : f32 to vector<16xf32>
    %scan3A = arith.constant 0 : i32
    %scan3A_8 = arith.constant 128 : i32
    %scan3A_9 = arith.addi %scan3A, %scan3A_8 : i32
    %scan3A_10 = arith.constant 1 : i32
    scf.for %scan3A_36 = %scan3A to %scan3A_9 step %scan3A_10  : i32 {
      %mul3A_37 = arith.constant 1 : i32
      %mul3A_38 = arith.muli %scan3A_36, %mul3A_37 : i32
      %add3A_39 = arith.constant 0 : i32
      %add3A_40 = arith.addi %add3A_39, %mul3A_38 : i32
      %swap3A = arith.index_cast %add3A_40 : i32 to index
      %swap3A_41 = arith.constant 0 : index
      %swap3A_42 = tpu.vector_load %arg5[%swap3A, %swap3A_41] {strides = array<i32>} : memref<128x128xf32, #tpu.memory_space<vmem>>, vector<16xf32>,
      tpu.vector_store %arg5[%swap3A, %swap3A_41], %broadcast_in_dim3A_5 {strides = array<i32>} : memref<128x128xf32, #tpu.memory_space<vmem>>, vector<16xf32>,
      %swap3A_43 = arith.index_cast %add3A_40 : i32 to index
      %swap3A_44 = arith.constant 16 : index
      %swap3A_45 = tpu.vector_load %arg5[%swap3A_43, %swap3A_44] {strides = array<i32>} : memref<128x128xf32, #tpu.memory_space<vmem>>, vector<16xf32>,
      tpu.vector_store %arg5[%swap3A_43, %swap3A_44], %broadcast_in_dim3A_5 {strides = array<i32>} : memref<128x128xf32, #tpu.memory_space<vmem>>, vector<16xf32>,
      %swap3A_46 = arith.index_cast %add3A_40 : i32 to index
      %swap3A_47 = arith.constant 32 : index
      %swap3A_48 = tpu.vector_load %arg5[%swap3A_46, %swap3A_47] {strides = array<i32>} : memref<128x128xf32, #tpu.memory_space<vmem>>, vector<16xf32>,
      tpu.vector_store %arg5[%swap3A_46, %swap3A_47], %broadcast_in_dim3A_5 {strides = array<i32>} : memref<128x128xf32, #tpu.memory_space<vmem>>, vector<16xf32>,
      %swap3A_49 = arith.index_cast %add3A_40 : i32 to index
      %swap3A_50 = arith.constant 48 : index
      %swap3A_51 = tpu.vector_load %arg5[%swap3A_49, %swap3A_50] {strides = array<i32>} : memref<128x128xf32, #tpu.memory_space<vmem>>, vector<16xf32>,
      tpu.vector_store %arg5[%swap3A_49, %swap3A_50], %broadcast_in_dim3A_5 {strides = array<i32>} : memref<128x128xf32, #tpu.memory_space<vmem>>, vector<16xf32>,
      %swap3A_52 = arith.index_cast %add3A_40 : i32 to index
      %swap3A_53 = arith.constant 64 : index
      %swap3A_54 = tpu.vector_load %arg5[%swap3A_52, %swap3A_53] {strides = array<i32>} : memref<128x128xf32, #tpu.memory_space<vmem>>, vector<16xf32>,
      tpu.vector_store %arg5[%swap3A_52, %swap3A_53], %broadcast_in_dim3A_5 {strides = array<i32>} : memref<128x128xf32, #tpu.memory_space<vmem>>, vector<16xf32>,
      %swap3A_55 = arith.index_cast %add3A_40 : i32 to index
      %swap3A_56 = arith.constant 80 : index
      %swap3A_57 = tpu.vector_load %arg5[%swap3A_55, %swap3A_56] {strides = array<i32>} : memref<128x128xf32, #tpu.memory_space<vmem>>, vector<16xf32>,
      tpu.vector_store %arg5[%swap3A_55, %swap3A_56], %broadcast_in_dim3A_5 {strides = array<i32>} : memref<128x128xf32, #tpu.memory_space<vmem>>, vector<16xf32>,
      %swap3A_58 = arith.index_cast %add3A_40 : i32 to index
      %swap3A_59 = arith.constant 96 : index
      %swap3A_60 = tpu.vector_load %arg5[%swap3A_58, %swap3A_59] {strides = array<i32>} : memref<128x128xf32, #tpu.memory_space<vmem>>, vector<16xf32>,
      tpu.vector_store %arg5[%swap3A_58, %swap3A_59], %broadcast_in_dim3A_5 {strides = array<i32>} : memref<128x128xf32, #tpu.memory_space<vmem>>, vector<16xf32>,
      %swap3A_61 = arith.index_cast %add3A_40 : i32 to index
      %swap3A_62 = arith.constant 112 : index
      %swap3A_63 = tpu.vector_load %arg5[%swap3A_61, %swap3A_62] {strides = array<i32>} : memref<128x128xf32, #tpu.memory_space<vmem>>, vector<16xf32>,
      tpu.vector_store %arg5[%swap3A_61, %swap3A_62], %broadcast_in_dim3A_5 {strides = array<i32>} : memref<128x128xf32, #tpu.memory_space<vmem>>, vector<16xf32>,
    }
    %scan3A_11 = arith.constant 128 : i32
    %scan3A_12 = arith.constant 0 : i32
    %scan3A_13 = arith.constant 8 : i32
    %scan3A_14 = arith.addi %scan3A_12, %scan3A_13 : i32
    %scan3A_15 = arith.constant 1 : i32
    scf.for %scan3A_36 = %scan3A_12 to %scan3A_14 step %scan3A_15  : i32 {
      %mul3A_37 = arith.constant 1 : i32
      %mul3A_38 = arith.muli %scan3A_36, %mul3A_37 : i32
      %add3A_39 = arith.constant 0 : i32
      %add3A_40 = arith.addi %add3A_39, %mul3A_38 : i32
      %iota3A = tpu.iota {dimensions = array<i32: 0>} : vector<16xi32>
      %mul3A_41 = arith.constant 16 : i32
      %mul3A_42 = arith.muli %add3A_40, %mul3A_41 : i32
      %add3A_43 = vector.broadcast %mul3A_42 : i32 to vector<16xi32>
      %add3A_44 = arith.addi %iota3A, %add3A_43 : vector<16xi32>
      %mul3A_45 = arith.constant 16 : i32
      %mul3A_46 = arith.muli %add3A_40, %mul3A_45 : i32
      %swap3A = arith.index_cast %mul3A_46 : i32 to index
      %swap3A_47 = tpu.vector_load %arg6[%swap3A] {strides = array<i32>} : memref<128xi32, #tpu.memory_space<vmem>>, vector<16xi32>,
      tpu.vector_store %arg6[%swap3A], %add3A_44 {strides = array<i32>} : memref<128xi32, #tpu.memory_space<vmem>>, vector<16xi32>,
    }
    %scan3A_16 = arith.constant 8 : i32
    %eq3A = arith.constant 0 : i32
    %eq3A_17 = arith.cmpi eq, %arg1, %eq3A : i32
    %convert_element_type3A_18 = arith.extui %eq3A_17 : i1 to i32
    %cond3A_19 = arith.constant 0 : i32
    %cond3A_20 = arith.cmpi ne, %convert_element_type3A_18, %cond3A_19 : i32
    scf.if %cond3A_20 {
      "tpu.region"() ({
        %run_scoped3A_36 = tpu.sem_alloc : memref<!tpu.dma_semaphore, #tpu.memory_space<semaphore_mem>>
        tpu.enqueue_dma source(%arg5 : memref<128x128xf32, #tpu.memory_space<vmem>>) target(%arg7 : memref<128x128xf32, #tpu.memory_space<vmem_shared>>) target_semaphore(%run_scoped3A_36 : memref<!tpu.dma_semaphore, #tpu.memory_space<semaphore_mem>>)
        tpu.wait_dma2 semaphore(%run_scoped3A_36 : memref<!tpu.dma_semaphore, #tpu.memory_space<semaphore_mem>>) src(%arg5 : memref<128x128xf32, #tpu.memory_space<vmem>>) dst(%arg7 : memref<128x128xf32, #tpu.memory_space<vmem_shared>>)
        tpu.yield
      }) : () -> ()
    } else {
    }
    %barrier3A = arith.constant 0 : index
    tpu.barrier barrier_id(%barrier3A)
    %scan3A_21 = arith.constant 0 : i32
    %scan3A_22 = arith.constant 156 : i32
    %scan3A_23 = arith.addi %scan3A_21, %scan3A_22 : i32
    %scan3A_24 = arith.constant 1 : i32
    scf.for %scan3A_36 = %scan3A_21 to %scan3A_23 step %scan3A_24  : i32 {
      %mul3A_37 = arith.constant 1 : i32
      %mul3A_38 = arith.muli %scan3A_36, %mul3A_37 : i32
      %add3A_39 = arith.constant 0 : i32
      %add3A_40 = arith.addi %add3A_39, %mul3A_38 : i32
      %mul3A_41 = arith.constant 4 : i32
      %mul3A_42 = arith.muli %add3A_40, %mul3A_41 : i32
      %add3A_43 = arith.constant 0 : i32
      %add3A_44 = arith.addi %mul3A_42, %add3A_43 : i32
      %mul3A_45 = arith.constant 16 : i32
      %mul3A_46 = arith.muli %add3A_44, %mul3A_45 : i32
      %get3A = arith.index_cast %mul3A_46 : i32 to index
      %get3A_47 = tpu.vector_load %arg4[%get3A] {strides = array<i32>} : memref<10112xi32, #tpu.memory_space<vmem>>, vector<16xi32>,
      %shift_right_logical3A = arith.constant 7 : i32
      %shift_right_logical3A_48 = vector.broadcast %shift_right_logical3A : i32 to vector<16xi32>
      %shift_right_logical3A_49 = arith.shrui %get3A_47, %shift_right_logical3A_48 : vector<16xi32>
      %and3A = arith.constant 127 : i32
      %and3A_50 = vector.broadcast %and3A : i32 to vector<16xi32>
      %and3A_51 = arith.andi %get3A_47, %and3A_50 : vector<16xi32>
      tpu.vector_store_idx %arg5[%shift_right_logical3A_49, %and3A_51], %broadcast_in_dim3A_7 {add = true} : memref<128x128xf32, #tpu.memory_space<vmem>>[vector<16xi32>, vector<16xi32>], vector<16xf32>,
      %mul3A_52 = arith.constant 4 : i32
      %mul3A_53 = arith.muli %add3A_40, %mul3A_52 : i32
      %add3A_54 = arith.constant 1 : i32
      %add3A_55 = arith.addi %mul3A_53, %add3A_54 : i32
      %mul3A_56 = arith.constant 16 : i32
      %mul3A_57 = arith.muli %add3A_55, %mul3A_56 : i32
      %get3A_58 = arith.index_cast %mul3A_57 : i32 to index
      %get3A_59 = tpu.vector_load %arg4[%get3A_58] {strides = array<i32>} : memref<10112xi32, #tpu.memory_space<vmem>>, vector<16xi32>,
      %shift_right_logical3A_60 = arith.constant 7 : i32
      %shift_right_logical3A_61 = vector.broadcast %shift_right_logical3A_60 : i32 to vector<16xi32>
      %shift_right_logical3A_62 = arith.shrui %get3A_59, %shift_right_logical3A_61 : vector<16xi32>
      %and3A_63 = arith.constant 127 : i32
      %and3A_64 = vector.broadcast %and3A_63 : i32 to vector<16xi32>
      %and3A_65 = arith.andi %get3A_59, %and3A_64 : vector<16xi32>
      tpu.vector_store_idx %arg5[%shift_right_logical3A_62, %and3A_65], %broadcast_in_dim3A_7 {add = true} : memref<128x128xf32, #tpu.memory_space<vmem>>[vector<16xi32>, vector<16xi32>], vector<16xf32>,
      %mul3A_66 = arith.constant 4 : i32
      %mul3A_67 = arith.muli %add3A_40, %mul3A_66 : i32
      %add3A_68 = arith.constant 2 : i32
      %add3A_69 = arith.addi %mul3A_67, %add3A_68 : i32
      %mul3A_70 = arith.constant 16 : i32
      %mul3A_71 = arith.muli %add3A_69, %mul3A_70 : i32
      %get3A_72 = arith.index_cast %mul3A_71 : i32 to index
      %get3A_73 = tpu.vector_load %arg4[%get3A_72] {strides = array<i32>} : memref<10112xi32, #tpu.memory_space<vmem>>, vector<16xi32>,
      %shift_right_logical3A_74 = arith.constant 7 : i32
      %shift_right_logical3A_75 = vector.broadcast %shift_right_logical3A_74 : i32 to vector<16xi32>
      %shift_right_logical3A_76 = arith.shrui %get3A_73, %shift_right_logical3A_75 : vector<16xi32>
      %and3A_77 = arith.constant 127 : i32
      %and3A_78 = vector.broadcast %and3A_77 : i32 to vector<16xi32>
      %and3A_79 = arith.andi %get3A_73, %and3A_78 : vector<16xi32>
      tpu.vector_store_idx %arg5[%shift_right_logical3A_76, %and3A_79], %broadcast_in_dim3A_7 {add = true} : memref<128x128xf32, #tpu.memory_space<vmem>>[vector<16xi32>, vector<16xi32>], vector<16xf32>,
      %mul3A_80 = arith.constant 4 : i32
      %mul3A_81 = arith.muli %add3A_40, %mul3A_80 : i32
      %add3A_82 = arith.constant 3 : i32
      %add3A_83 = arith.addi %mul3A_81, %add3A_82 : i32
      %mul3A_84 = arith.constant 16 : i32
      %mul3A_85 = arith.muli %add3A_83, %mul3A_84 : i32
      %get3A_86 = arith.index_cast %mul3A_85 : i32 to index
      %get3A_87 = tpu.vector_load %arg4[%get3A_86] {strides = array<i32>} : memref<10112xi32, #tpu.memory_space<vmem>>, vector<16xi32>,
      %shift_right_logical3A_88 = arith.constant 7 : i32
      %shift_right_logical3A_89 = vector.broadcast %shift_right_logical3A_88 : i32 to vector<16xi32>
      %shift_right_logical3A_90 = arith.shrui %get3A_87, %shift_right_logical3A_89 : vector<16xi32>
      %and3A_91 = arith.constant 127 : i32
      %and3A_92 = vector.broadcast %and3A_91 : i32 to vector<16xi32>
      %and3A_93 = arith.andi %get3A_87, %and3A_92 : vector<16xi32>
      tpu.vector_store_idx %arg5[%shift_right_logical3A_90, %and3A_93], %broadcast_in_dim3A_7 {add = true} : memref<128x128xf32, #tpu.memory_space<vmem>>[vector<16xi32>, vector<16xi32>], vector<16xf32>,
    }
    %scan3A_25 = arith.constant 156 : i32
    %lt3A_26 = arith.constant 4 : i32
    %lt3A_27 = arith.cmpi slt, %add3A, %lt3A_26 : i32
    %convert_element_type3A_28 = arith.extui %lt3A_27 : i1 to i32
    %cond3A_29 = arith.constant 0 : i32
    %cond3A_30 = arith.cmpi ne, %convert_element_type3A_28, %cond3A_29 : i32
    scf.if %cond3A_30 {
      %scan3A_36 = arith.constant 0 : i32
      %scan3A_37 = arith.constant 8 : i32
      %scan3A_38 = arith.addi %scan3A_36, %scan3A_37 : i32
      %scan3A_39 = arith.constant 1 : i32
      scf.for %scan3A_41 = %scan3A_36 to %scan3A_38 step %scan3A_39  : i32 {
        %mul3A_42 = arith.constant 1 : i32
        %mul3A_43 = arith.muli %scan3A_41, %mul3A_42 : i32
        %add3A_44 = arith.constant 624 : i32
        %add3A_45 = arith.addi %add3A_44, %mul3A_43 : i32
        %mul3A_46 = arith.constant 16 : i32
        %mul3A_47 = arith.muli %add3A_45, %mul3A_46 : i32
        %get3A = arith.index_cast %mul3A_47 : i32 to index
        %get3A_48 = tpu.vector_load %arg4[%get3A] {strides = array<i32>} : memref<10112xi32, #tpu.memory_space<vmem>>, vector<16xi32>,
        %shift_right_logical3A = arith.constant 7 : i32
        %shift_right_logical3A_49 = vector.broadcast %shift_right_logical3A : i32 to vector<16xi32>
        %shift_right_logical3A_50 = arith.shrui %get3A_48, %shift_right_logical3A_49 : vector<16xi32>
        %and3A = arith.constant 127 : i32
        %and3A_51 = vector.broadcast %and3A : i32 to vector<16xi32>
        %and3A_52 = arith.andi %get3A_48, %and3A_51 : vector<16xi32>
        tpu.vector_store_idx %arg5[%shift_right_logical3A_50, %and3A_52], %broadcast_in_dim3A_7 {add = true} : memref<128x128xf32, #tpu.memory_space<vmem>>[vector<16xi32>, vector<16xi32>], vector<16xf32>,
      }
      %scan3A_40 = arith.constant 8 : i32
    } else {
    }
    "tpu.region"() ({
      %run_scoped3A_36 = tpu.sem_alloc : memref<!tpu.dma_semaphore, #tpu.memory_space<semaphore_mem>>
      %dma_start3A = arith.constant 0 : i32
      %dma_start3A_37 = arith.constant 0 : i32
      %dma_start3A_38 = tpu.memref_slice %arg7[%dma_start3A, %dma_start3A_37] : memref<128x128xf32, #tpu.memory_space<vmem_shared>> -> memref<128x128xf32, #tpu.memory_space<vmem_shared>>
      tpu.enqueue_indirect_dma source(%arg5 : memref<128x128xf32, #tpu.memory_space<vmem>>) target(%dma_start3A_38 : memref<128x128xf32, #tpu.memory_space<vmem_shared>>) offsets(%arg6 : memref<128xi32, #tpu.memory_space<vmem>>) semaphore(%run_scoped3A_36 : memref<!tpu.dma_semaphore, #tpu.memory_space<semaphore_mem>>) {add = true}
      %dma_wait3A = arith.constant 0 : i32
      %dma_wait3A_39 = arith.constant 0 : i32
      %dma_wait3A_40 = tpu.memref_slice %arg7[%dma_wait3A, %dma_wait3A_39] : memref<128x128xf32, #tpu.memory_space<vmem_shared>> -> memref<128x128xf32, #tpu.memory_space<vmem_shared>>
      tpu.wait_indirect_dma semaphore(%run_scoped3A_36 : memref<!tpu.dma_semaphore, #tpu.memory_space<semaphore_mem>>) src(%arg5 : memref<128x128xf32, #tpu.memory_space<vmem>>) dst(%dma_wait3A_40 : memref<128x128xf32, #tpu.memory_space<vmem_shared>>)
      tpu.yield
    }) : () -> ()
    %barrier3A_31 = arith.constant 0 : index
    tpu.barrier barrier_id(%barrier3A_31)
    %mul3A_32 = arith.constant 8 : i32
    %mul3A_33 = arith.muli %arg1, %mul3A_32 : i32
    %mul3A_34 = arith.constant 8 : i32
    %mul3A_35 = arith.muli %arg1, %mul3A_34 : i32
    "tpu.region"() ({
      %run_scoped3A_36 = tpu.sem_alloc : memref<!tpu.dma_semaphore, #tpu.memory_space<semaphore_mem>>
      %dma_start3A = arith.constant 0 : i32
      %dma_start3A_37 = tpu.memref_slice %arg3[%arg0, %mul3A_35, %dma_start3A] : memref<2x128x128xf32, #tpu.memory_space<hbm>> -> memref<1x8x128xf32, #tpu.memory_space<hbm>>
      %dma_start3A_38 = tpu.memref_squeeze %dma_start3A_37 : memref<1x8x128xf32, #tpu.memory_space<hbm>> -> memref<8x128xf32, #tpu.memory_space<hbm>>
      %dma_start3A_39 = arith.constant 0 : i32
      %dma_start3A_40 = tpu.memref_slice %arg7[%mul3A_33, %dma_start3A_39] : memref<128x128xf32, #tpu.memory_space<vmem_shared>> -> memref<8x128xf32, #tpu.memory_space<vmem_shared>>
      tpu.enqueue_dma source(%dma_start3A_40 : memref<8x128xf32, #tpu.memory_space<vmem_shared>>) target(%dma_start3A_38 : memref<8x128xf32, #tpu.memory_space<hbm>>) target_semaphore(%run_scoped3A_36 : memref<!tpu.dma_semaphore, #tpu.memory_space<semaphore_mem>>)
      %dma_wait3A = arith.constant 0 : i32
      %dma_wait3A_41 = tpu.memref_slice %arg3[%arg0, %mul3A_35, %dma_wait3A] : memref<2x128x128xf32, #tpu.memory_space<hbm>> -> memref<1x8x128xf32, #tpu.memory_space<hbm>>
      %dma_wait3A_42 = tpu.memref_squeeze %dma_wait3A_41 : memref<1x8x128xf32, #tpu.memory_space<hbm>> -> memref<8x128xf32, #tpu.memory_space<hbm>>
      %dma_wait3A_43 = arith.constant 0 : i32
      %dma_wait3A_44 = tpu.memref_slice %arg7[%mul3A_33, %dma_wait3A_43] : memref<128x128xf32, #tpu.memory_space<vmem_shared>> -> memref<8x128xf32, #tpu.memory_space<vmem_shared>>
      tpu.wait_dma2 semaphore(%run_scoped3A_36 : memref<!tpu.dma_semaphore, #tpu.memory_space<semaphore_mem>>) src(%dma_wait3A_44 : memref<8x128xf32, #tpu.memory_space<vmem_shared>>) dst(%dma_wait3A_42 : memref<8x128xf32, #tpu.memory_space<hbm>>)
      tpu.yield
    }) : () -> ()
    return
  }
}

#map = affine_map<(d0, d1) -> (0, 0)>
#map1 = affine_map<(d0, d1) -> (0, 0, 0)>
module attributes {stable_mosaic.version = 14 : i64} {
  func.func @_agg_kernel(%arg0: i32, %arg1: i32, %arg2: memref<2x320000xi32, #tpu.memory_space<hbm>>, %arg3: memref<10000x128xf32, #tpu.memory_space<hbm>>, %arg4: memref<640x128xf32, #tpu.memory_space<hbm>>, %arg5: memref<2x10240x128xf32, #tpu.memory_space<hbm>>, %arg6: memref<2x128xi32, #tpu.memory_space<vmem>>, %arg7: memref<2x128xi32, #tpu.memory_space<vmem>>, %arg8: memref<2x128xi32, #tpu.memory_space<vmem>>, %arg9: memref<128x128xf32, #tpu.memory_space<vmem>>, %arg10: memref<128x128xf32, #tpu.memory_space<vmem>>, %arg11: memref<10240x128xf32, #tpu.memory_space<vmem_shared>>, %arg12: memref<!tpu.dma_semaphore, #tpu.memory_space<semaphore_mem>>, %arg13: memref<!tpu.dma_semaphore, #tpu.memory_space<semaphore_mem>>, %arg14: memref<!tpu.dma_semaphore, #tpu.memory_space<semaphore_mem>>, %arg15: memref<!tpu.dma_semaphore, #tpu.memory_space<semaphore_mem>>, %arg16: memref<!tpu.dma_semaphore, #tpu.memory_space<semaphore_mem>>) attributes {dimension_semantics = [#tpu.dimension_semantics<core_parallel>, #tpu.dimension_semantics<subcore_parallel>], iteration_bounds = array<i64: 2, 16>, scalar_prefetch = 0 : i64, scratch_operands = 11 : i64, tpu.core_type = #tpu.core_type<sc_vector_subcore>, window_params = [{transform_indices = #map}, {transform_indices = #map}, {transform_indices = #map}, {transform_indices = #map1}]} {
    %mul3A = arith.constant 2 : i32
    %mul3A_0 = arith.muli %arg1, %mul3A : i32
    %add3A = arith.addi %mul3A_0, %arg0 : i32
    %mul3A_1 = arith.constant 9984 : i32
    %mul3A_2 = arith.muli %add3A, %mul3A_1 : i32
    %mul3A_3 = arith.constant 640 : i32
    %mul3A_4 = arith.muli %arg1, %mul3A_3 : i32
    "tpu.region"() ({
      %run_scoped3A = tpu.sem_alloc : memref<!tpu.dma_semaphore, #tpu.memory_space<semaphore_mem>>
      %dma_start3A_152 = arith.constant 0 : i32
      %dma_start3A_153 = tpu.memref_slice %arg11[%mul3A_4, %dma_start3A_152] : memref<10240x128xf32, #tpu.memory_space<vmem_shared>> -> memref<640x128xf32, #tpu.memory_space<vmem_shared>>
      tpu.enqueue_dma source(%arg4 : memref<640x128xf32, #tpu.memory_space<hbm>>) target(%dma_start3A_153 : memref<640x128xf32, #tpu.memory_space<vmem_shared>>) target_semaphore(%run_scoped3A : memref<!tpu.dma_semaphore, #tpu.memory_space<semaphore_mem>>)
      %dma_wait3A_154 = arith.constant 0 : i32
      %dma_wait3A_155 = tpu.memref_slice %arg11[%mul3A_4, %dma_wait3A_154] : memref<10240x128xf32, #tpu.memory_space<vmem_shared>> -> memref<640x128xf32, #tpu.memory_space<vmem_shared>>
      tpu.wait_dma2 semaphore(%run_scoped3A : memref<!tpu.dma_semaphore, #tpu.memory_space<semaphore_mem>>) src(%arg4 : memref<640x128xf32, #tpu.memory_space<hbm>>) dst(%dma_wait3A_155 : memref<640x128xf32, #tpu.memory_space<vmem_shared>>)
      tpu.yield
    }) : () -> ()
    %barrier3A = arith.constant 0 : index
    tpu.barrier barrier_id(%barrier3A)
    %jit3A = arith.constant 128 : i32
    %div3A = arith.divsi %mul3A_2, %jit3A : i32
    %sign3A = arith.constant 0 : i32
    %sign3A_5 = arith.cmpi sgt, %mul3A_2, %sign3A : i32
    %sign3A_6 = arith.extui %sign3A_5 : i1 to i32
    %sign3A_7 = arith.constant 0 : i32
    %sign3A_8 = arith.cmpi slt, %mul3A_2, %sign3A_7 : i32
    %sign3A_9 = arith.extui %sign3A_8 : i1 to i32
    %sign3A_10 = arith.subi %sign3A_6, %sign3A_9 : i32
    %sign3A_11 = arith.constant 0 : i32
    %sign3A_12 = arith.cmpi sgt, %jit3A, %sign3A_11 : i32
    %sign3A_13 = arith.extui %sign3A_12 : i1 to i32
    %sign3A_14 = arith.constant 0 : i32
    %sign3A_15 = arith.cmpi slt, %jit3A, %sign3A_14 : i32
    %sign3A_16 = arith.extui %sign3A_15 : i1 to i32
    %sign3A_17 = arith.subi %sign3A_13, %sign3A_16 : i32
    %ne3A = arith.cmpi ne, %sign3A_10, %sign3A_17 : i32
    %rem3A = arith.remsi %mul3A_2, %jit3A : i32
    %ne3A_18 = arith.constant 0 : i32
    %ne3A_19 = arith.cmpi ne, %rem3A, %ne3A_18 : i32
    %and3A = arith.andi %ne3A, %ne3A_19 : i1
    %sub3A = arith.constant 1 : i32
    %sub3A_20 = arith.subi %div3A, %sub3A : i32
    %select_n3A = arith.select %and3A, %sub3A_20, %div3A : i32
    %add3A_21 = arith.constant 0 : i32
    %add3A_22 = arith.addi %select_n3A, %add3A_21 : i32
    %mul3A_23 = arith.constant 128 : i32
    %mul3A_24 = arith.muli %add3A_22, %mul3A_23 : i32
    %dma_start3A = arith.constant 0 : i32
    %dma_start3A_25 = tpu.memref_slice %arg2[%dma_start3A, %mul3A_24] : memref<2x320000xi32, #tpu.memory_space<hbm>> -> memref<2x128xi32, #tpu.memory_space<hbm>>
    %dma_start3A_26 = arith.constant 0 : i32
    %dma_start3A_27 = tpu.memref_slice %arg2[%dma_start3A_26, %mul3A_24] : memref<2x320000xi32, #tpu.memory_space<hbm>> -> memref<2x128xi32, #tpu.memory_space<hbm>>
    tpu.enqueue_dma source(%dma_start3A_27 : memref<2x128xi32, #tpu.memory_space<hbm>>) target(%arg6 : memref<2x128xi32, #tpu.memory_space<vmem>>) target_semaphore(%arg14 : memref<!tpu.dma_semaphore, #tpu.memory_space<semaphore_mem>>)
    %jit3A_28 = arith.constant 128 : i32
    %div3A_29 = arith.divsi %mul3A_2, %jit3A_28 : i32
    %sign3A_30 = arith.constant 0 : i32
    %sign3A_31 = arith.cmpi sgt, %mul3A_2, %sign3A_30 : i32
    %sign3A_32 = arith.extui %sign3A_31 : i1 to i32
    %sign3A_33 = arith.constant 0 : i32
    %sign3A_34 = arith.cmpi slt, %mul3A_2, %sign3A_33 : i32
    %sign3A_35 = arith.extui %sign3A_34 : i1 to i32
    %sign3A_36 = arith.subi %sign3A_32, %sign3A_35 : i32
    %sign3A_37 = arith.constant 0 : i32
    %sign3A_38 = arith.cmpi sgt, %jit3A_28, %sign3A_37 : i32
    %sign3A_39 = arith.extui %sign3A_38 : i1 to i32
    %sign3A_40 = arith.constant 0 : i32
    %sign3A_41 = arith.cmpi slt, %jit3A_28, %sign3A_40 : i32
    %sign3A_42 = arith.extui %sign3A_41 : i1 to i32
    %sign3A_43 = arith.subi %sign3A_39, %sign3A_42 : i32
    %ne3A_44 = arith.cmpi ne, %sign3A_36, %sign3A_43 : i32
    %rem3A_45 = arith.remsi %mul3A_2, %jit3A_28 : i32
    %ne3A_46 = arith.constant 0 : i32
    %ne3A_47 = arith.cmpi ne, %rem3A_45, %ne3A_46 : i32
    %and3A_48 = arith.andi %ne3A_44, %ne3A_47 : i1
    %sub3A_49 = arith.constant 1 : i32
    %sub3A_50 = arith.subi %div3A_29, %sub3A_49 : i32
    %select_n3A_51 = arith.select %and3A_48, %sub3A_50, %div3A_29 : i32
    %add3A_52 = arith.constant 1 : i32
    %add3A_53 = arith.addi %select_n3A_51, %add3A_52 : i32
    %mul3A_54 = arith.constant 128 : i32
    %mul3A_55 = arith.muli %add3A_53, %mul3A_54 : i32
    %dma_start3A_56 = arith.constant 0 : i32
    %dma_start3A_57 = tpu.memref_slice %arg2[%dma_start3A_56, %mul3A_55] : memref<2x320000xi32, #tpu.memory_space<hbm>> -> memref<2x128xi32, #tpu.memory_space<hbm>>
    %dma_start3A_58 = arith.constant 0 : i32
    %dma_start3A_59 = tpu.memref_slice %arg2[%dma_start3A_58, %mul3A_55] : memref<2x320000xi32, #tpu.memory_space<hbm>> -> memref<2x128xi32, #tpu.memory_space<hbm>>
    tpu.enqueue_dma source(%dma_start3A_59 : memref<2x128xi32, #tpu.memory_space<hbm>>) target(%arg7 : memref<2x128xi32, #tpu.memory_space<vmem>>) target_semaphore(%arg15 : memref<!tpu.dma_semaphore, #tpu.memory_space<semaphore_mem>>)
    %jit3A_60 = arith.constant 128 : i32
    %div3A_61 = arith.divsi %mul3A_2, %jit3A_60 : i32
    %sign3A_62 = arith.constant 0 : i32
    %sign3A_63 = arith.cmpi sgt, %mul3A_2, %sign3A_62 : i32
    %sign3A_64 = arith.extui %sign3A_63 : i1 to i32
    %sign3A_65 = arith.constant 0 : i32
    %sign3A_66 = arith.cmpi slt, %mul3A_2, %sign3A_65 : i32
    %sign3A_67 = arith.extui %sign3A_66 : i1 to i32
    %sign3A_68 = arith.subi %sign3A_64, %sign3A_67 : i32
    %sign3A_69 = arith.constant 0 : i32
    %sign3A_70 = arith.cmpi sgt, %jit3A_60, %sign3A_69 : i32
    %sign3A_71 = arith.extui %sign3A_70 : i1 to i32
    %sign3A_72 = arith.constant 0 : i32
    %sign3A_73 = arith.cmpi slt, %jit3A_60, %sign3A_72 : i32
    %sign3A_74 = arith.extui %sign3A_73 : i1 to i32
    %sign3A_75 = arith.subi %sign3A_71, %sign3A_74 : i32
    %ne3A_76 = arith.cmpi ne, %sign3A_68, %sign3A_75 : i32
    %rem3A_77 = arith.remsi %mul3A_2, %jit3A_60 : i32
    %ne3A_78 = arith.constant 0 : i32
    %ne3A_79 = arith.cmpi ne, %rem3A_77, %ne3A_78 : i32
    %and3A_80 = arith.andi %ne3A_76, %ne3A_79 : i1
    %sub3A_81 = arith.constant 1 : i32
    %sub3A_82 = arith.subi %div3A_61, %sub3A_81 : i32
    %select_n3A_83 = arith.select %and3A_80, %sub3A_82, %div3A_61 : i32
    %add3A_84 = arith.constant 2 : i32
    %add3A_85 = arith.addi %select_n3A_83, %add3A_84 : i32
    %mul3A_86 = arith.constant 128 : i32
    %mul3A_87 = arith.muli %add3A_85, %mul3A_86 : i32
    %dma_start3A_88 = arith.constant 0 : i32
    %dma_start3A_89 = tpu.memref_slice %arg2[%dma_start3A_88, %mul3A_87] : memref<2x320000xi32, #tpu.memory_space<hbm>> -> memref<2x128xi32, #tpu.memory_space<hbm>>
    %dma_start3A_90 = arith.constant 0 : i32
    %dma_start3A_91 = tpu.memref_slice %arg2[%dma_start3A_90, %mul3A_87] : memref<2x320000xi32, #tpu.memory_space<hbm>> -> memref<2x128xi32, #tpu.memory_space<hbm>>
    tpu.enqueue_dma source(%dma_start3A_91 : memref<2x128xi32, #tpu.memory_space<hbm>>) target(%arg8 : memref<2x128xi32, #tpu.memory_space<vmem>>) target_semaphore(%arg16 : memref<!tpu.dma_semaphore, #tpu.memory_space<semaphore_mem>>)
    %dma_wait3A = arith.constant 0 : i32
    %dma_wait3A_92 = arith.constant 0 : i32
    %dma_wait3A_93 = tpu.memref_slice %arg2[%dma_wait3A, %dma_wait3A_92] : memref<2x320000xi32, #tpu.memory_space<hbm>> -> memref<2x128xi32, #tpu.memory_space<hbm>>
    %dma_wait3A_94 = arith.constant 0 : i32
    %dma_wait3A_95 = arith.constant 0 : i32
    %dma_wait3A_96 = tpu.memref_slice %arg2[%dma_wait3A_94, %dma_wait3A_95] : memref<2x320000xi32, #tpu.memory_space<hbm>> -> memref<2x128xi32, #tpu.memory_space<hbm>>
    tpu.wait_dma2 semaphore(%arg14 : memref<!tpu.dma_semaphore, #tpu.memory_space<semaphore_mem>>) src(%dma_wait3A_96 : memref<2x128xi32, #tpu.memory_space<hbm>>) dst(%arg6 : memref<2x128xi32, #tpu.memory_space<vmem>>)
    %dma_start3A_97 = arith.constant 0 : i32
    %dma_start3A_98 = arith.constant 0 : i32
    %dma_start3A_99 = tpu.memref_slice %arg6[%dma_start3A_97, %dma_start3A_98] : memref<2x128xi32, #tpu.memory_space<vmem>> -> memref<1x128xi32, #tpu.memory_space<vmem>>
    %dma_start3A_100 = tpu.memref_squeeze %dma_start3A_99 : memref<1x128xi32, #tpu.memory_space<vmem>> -> memref<128xi32, #tpu.memory_space<vmem>>
    %dma_start3A_101 = arith.constant 0 : i32
    %dma_start3A_102 = arith.constant 0 : i32
    %dma_start3A_103 = tpu.memref_slice %arg3[%dma_start3A_101, %dma_start3A_102] : memref<10000x128xf32, #tpu.memory_space<hbm>> -> memref<10000x128xf32, #tpu.memory_space<hbm>>
    tpu.enqueue_indirect_dma source(%dma_start3A_103 : memref<10000x128xf32, #tpu.memory_space<hbm>>) target(%arg9 : memref<128x128xf32, #tpu.memory_space<vmem>>) offsets(%dma_start3A_100 : memref<128xi32, #tpu.memory_space<vmem>>) semaphore(%arg12 : memref<!tpu.dma_semaphore, #tpu.memory_space<semaphore_mem>>)
    %dma_wait3A_104 = arith.constant 0 : i32
    %dma_wait3A_105 = arith.constant 0 : i32
    %dma_wait3A_106 = tpu.memref_slice %arg2[%dma_wait3A_104, %dma_wait3A_105] : memref<2x320000xi32, #tpu.memory_space<hbm>> -> memref<2x128xi32, #tpu.memory_space<hbm>>
    %dma_wait3A_107 = arith.constant 0 : i32
    %dma_wait3A_108 = arith.constant 0 : i32
    %dma_wait3A_109 = tpu.memref_slice %arg2[%dma_wait3A_107, %dma_wait3A_108] : memref<2x320000xi32, #tpu.memory_space<hbm>> -> memref<2x128xi32, #tpu.memory_space<hbm>>
    tpu.wait_dma2 semaphore(%arg15 : memref<!tpu.dma_semaphore, #tpu.memory_space<semaphore_mem>>) src(%dma_wait3A_109 : memref<2x128xi32, #tpu.memory_space<hbm>>) dst(%arg7 : memref<2x128xi32, #tpu.memory_space<vmem>>)
    %dma_start3A_110 = arith.constant 0 : i32
    %dma_start3A_111 = arith.constant 0 : i32
    %dma_start3A_112 = tpu.memref_slice %arg7[%dma_start3A_110, %dma_start3A_111] : memref<2x128xi32, #tpu.memory_space<vmem>> -> memref<1x128xi32, #tpu.memory_space<vmem>>
    %dma_start3A_113 = tpu.memref_squeeze %dma_start3A_112 : memref<1x128xi32, #tpu.memory_space<vmem>> -> memref<128xi32, #tpu.memory_space<vmem>>
    %dma_start3A_114 = arith.constant 0 : i32
    %dma_start3A_115 = arith.constant 0 : i32
    %dma_start3A_116 = tpu.memref_slice %arg3[%dma_start3A_114, %dma_start3A_115] : memref<10000x128xf32, #tpu.memory_space<hbm>> -> memref<10000x128xf32, #tpu.memory_space<hbm>>
    tpu.enqueue_indirect_dma source(%dma_start3A_116 : memref<10000x128xf32, #tpu.memory_space<hbm>>) target(%arg10 : memref<128x128xf32, #tpu.memory_space<vmem>>) offsets(%dma_start3A_113 : memref<128xi32, #tpu.memory_space<vmem>>) semaphore(%arg13 : memref<!tpu.dma_semaphore, #tpu.memory_space<semaphore_mem>>)
    %jit3A_117 = arith.constant 128 : i32
    %div3A_118 = arith.divsi %mul3A_2, %jit3A_117 : i32
    %sign3A_119 = arith.constant 0 : i32
    %sign3A_120 = arith.cmpi sgt, %mul3A_2, %sign3A_119 : i32
    %sign3A_121 = arith.extui %sign3A_120 : i1 to i32
    %sign3A_122 = arith.constant 0 : i32
    %sign3A_123 = arith.cmpi slt, %mul3A_2, %sign3A_122 : i32
    %sign3A_124 = arith.extui %sign3A_123 : i1 to i32
    %sign3A_125 = arith.subi %sign3A_121, %sign3A_124 : i32
    %sign3A_126 = arith.constant 0 : i32
    %sign3A_127 = arith.cmpi sgt, %jit3A_117, %sign3A_126 : i32
    %sign3A_128 = arith.extui %sign3A_127 : i1 to i32
    %sign3A_129 = arith.constant 0 : i32
    %sign3A_130 = arith.cmpi slt, %jit3A_117, %sign3A_129 : i32
    %sign3A_131 = arith.extui %sign3A_130 : i1 to i32
    %sign3A_132 = arith.subi %sign3A_128, %sign3A_131 : i32
    %ne3A_133 = arith.cmpi ne, %sign3A_125, %sign3A_132 : i32
    %rem3A_134 = arith.remsi %mul3A_2, %jit3A_117 : i32
    %ne3A_135 = arith.constant 0 : i32
    %ne3A_136 = arith.cmpi ne, %rem3A_134, %ne3A_135 : i32
    %and3A_137 = arith.andi %ne3A_133, %ne3A_136 : i1
    %sub3A_138 = arith.constant 1 : i32
    %sub3A_139 = arith.subi %div3A_118, %sub3A_138 : i32
    %select_n3A_140 = arith.select %and3A_137, %sub3A_139, %div3A_118 : i32
    %scan3A = arith.constant 0 : i32
    %scan3A_141 = arith.constant 13 : i32
    %scan3A_142 = arith.addi %scan3A, %scan3A_141 : i32
    %scan3A_143 = arith.constant 1 : i32
    scf.for %scan3A_152 = %scan3A to %scan3A_142 step %scan3A_143  : i32 {
      %mul3A_153 = arith.constant 1 : i32
      %mul3A_154 = arith.muli %scan3A_152, %mul3A_153 : i32
      %add3A_155 = arith.constant 0 : i32
      %add3A_156 = arith.addi %add3A_155, %mul3A_154 : i32
      %mul3A_157 = arith.constant 6 : i32
      %mul3A_158 = arith.muli %add3A_156, %mul3A_157 : i32
      %dma_wait3A_159 = arith.constant 0 : i32
      %dma_wait3A_160 = arith.constant 0 : i32
      %dma_wait3A_161 = tpu.memref_slice %arg6[%dma_wait3A_159, %dma_wait3A_160] : memref<2x128xi32, #tpu.memory_space<vmem>> -> memref<1x128xi32, #tpu.memory_space<vmem>>
      %dma_wait3A_162 = tpu.memref_squeeze %dma_wait3A_161 : memref<1x128xi32, #tpu.memory_space<vmem>> -> memref<128xi32, #tpu.memory_space<vmem>>
      %dma_wait3A_163 = arith.constant 0 : i32
      %dma_wait3A_164 = arith.constant 0 : i32
      %dma_wait3A_165 = tpu.memref_slice %arg3[%dma_wait3A_163, %dma_wait3A_164] : memref<10000x128xf32, #tpu.memory_space<hbm>> -> memref<10000x128xf32, #tpu.memory_space<hbm>>
      tpu.wait_indirect_dma semaphore(%arg12 : memref<!tpu.dma_semaphore, #tpu.memory_space<semaphore_mem>>) src(%dma_wait3A_165 : memref<10000x128xf32, #tpu.memory_space<hbm>>) dst(%arg9 : memref<128x128xf32, #tpu.memory_space<vmem>>)
      %run_scoped3A = arith.constant 1 : i32
      "tpu.region"() ({
        %run_scoped3A_316 = tpu.sem_alloc : memref<!tpu.dma_semaphore, #tpu.memory_space<semaphore_mem>>
        %dma_start3A_317 = arith.constant 0 : i32
        %dma_start3A_318 = tpu.memref_slice %arg6[%run_scoped3A, %dma_start3A_317] : memref<2x128xi32, #tpu.memory_space<vmem>> -> memref<1x128xi32, #tpu.memory_space<vmem>>
        %dma_start3A_319 = tpu.memref_squeeze %dma_start3A_318 : memref<1x128xi32, #tpu.memory_space<vmem>> -> memref<128xi32, #tpu.memory_space<vmem>>
        %dma_start3A_320 = arith.constant 0 : i32
        %dma_start3A_321 = arith.constant 0 : i32
        %dma_start3A_322 = tpu.memref_slice %arg11[%dma_start3A_320, %dma_start3A_321] : memref<10240x128xf32, #tpu.memory_space<vmem_shared>> -> memref<10240x128xf32, #tpu.memory_space<vmem_shared>>
        tpu.enqueue_indirect_dma source(%arg9 : memref<128x128xf32, #tpu.memory_space<vmem>>) target(%dma_start3A_322 : memref<10240x128xf32, #tpu.memory_space<vmem_shared>>) offsets(%dma_start3A_319 : memref<128xi32, #tpu.memory_space<vmem>>) semaphore(%run_scoped3A_316 : memref<!tpu.dma_semaphore, #tpu.memory_space<semaphore_mem>>) {add = true}
        %dma_wait3A_323 = arith.constant 0 : i32
        %dma_wait3A_324 = tpu.memref_slice %arg6[%run_scoped3A, %dma_wait3A_323] : memref<2x128xi32, #tpu.memory_space<vmem>> -> memref<1x128xi32, #tpu.memory_space<vmem>>
        %dma_wait3A_325 = tpu.memref_squeeze %dma_wait3A_324 : memref<1x128xi32, #tpu.memory_space<vmem>> -> memref<128xi32, #tpu.memory_space<vmem>>
        %dma_wait3A_326 = arith.constant 0 : i32
        %dma_wait3A_327 = arith.constant 0 : i32
        %dma_wait3A_328 = tpu.memref_slice %arg11[%dma_wait3A_326, %dma_wait3A_327] : memref<10240x128xf32, #tpu.memory_space<vmem_shared>> -> memref<10240x128xf32, #tpu.memory_space<vmem_shared>>
        tpu.wait_indirect_dma semaphore(%run_scoped3A_316 : memref<!tpu.dma_semaphore, #tpu.memory_space<semaphore_mem>>) src(%arg9 : memref<128x128xf32, #tpu.memory_space<vmem>>) dst(%dma_wait3A_328 : memref<10240x128xf32, #tpu.memory_space<vmem_shared>>)
        tpu.yield
      }) : () -> ()
      %add3A_166 = arith.addi %select_n3A_140, %mul3A_158 : i32
      %add3A_167 = arith.constant 0 : i32
      %add3A_168 = arith.addi %add3A_166, %add3A_167 : i32
      %add3A_169 = arith.constant 3 : i32
      %add3A_170 = arith.addi %add3A_168, %add3A_169 : i32
      %mul3A_171 = arith.constant 128 : i32
      %mul3A_172 = arith.muli %add3A_170, %mul3A_171 : i32
      %dma_start3A_173 = arith.constant 0 : i32
      %dma_start3A_174 = tpu.memref_slice %arg2[%dma_start3A_173, %mul3A_172] : memref<2x320000xi32, #tpu.memory_space<hbm>> -> memref<2x128xi32, #tpu.memory_space<hbm>>
      %dma_start3A_175 = arith.constant 0 : i32
      %dma_start3A_176 = tpu.memref_slice %arg2[%dma_start3A_175, %mul3A_172] : memref<2x320000xi32, #tpu.memory_space<hbm>> -> memref<2x128xi32, #tpu.memory_space<hbm>>
      tpu.enqueue_dma source(%dma_start3A_176 : memref<2x128xi32, #tpu.memory_space<hbm>>) target(%arg6 : memref<2x128xi32, #tpu.memory_space<vmem>>) target_semaphore(%arg14 : memref<!tpu.dma_semaphore, #tpu.memory_space<semaphore_mem>>)
      %dma_wait3A_177 = arith.constant 0 : i32
      %dma_wait3A_178 = arith.constant 0 : i32
      %dma_wait3A_179 = tpu.memref_slice %arg2[%dma_wait3A_177, %dma_wait3A_178] : memref<2x320000xi32, #tpu.memory_space<hbm>> -> memref<2x128xi32, #tpu.memory_space<hbm>>
      %dma_wait3A_180 = arith.constant 0 : i32
      %dma_wait3A_181 = arith.constant 0 : i32
      %dma_wait3A_182 = tpu.memref_slice %arg2[%dma_wait3A_180, %dma_wait3A_181] : memref<2x320000xi32, #tpu.memory_space<hbm>> -> memref<2x128xi32, #tpu.memory_space<hbm>>
      tpu.wait_dma2 semaphore(%arg16 : memref<!tpu.dma_semaphore, #tpu.memory_space<semaphore_mem>>) src(%dma_wait3A_182 : memref<2x128xi32, #tpu.memory_space<hbm>>) dst(%arg8 : memref<2x128xi32, #tpu.memory_space<vmem>>)
      %dma_start3A_183 = arith.constant 0 : i32
      %dma_start3A_184 = arith.constant 0 : i32
      %dma_start3A_185 = tpu.memref_slice %arg8[%dma_start3A_183, %dma_start3A_184] : memref<2x128xi32, #tpu.memory_space<vmem>> -> memref<1x128xi32, #tpu.memory_space<vmem>>
      %dma_start3A_186 = tpu.memref_squeeze %dma_start3A_185 : memref<1x128xi32, #tpu.memory_space<vmem>> -> memref<128xi32, #tpu.memory_space<vmem>>
      %dma_start3A_187 = arith.constant 0 : i32
      %dma_start3A_188 = arith.constant 0 : i32
      %dma_start3A_189 = tpu.memref_slice %arg3[%dma_start3A_187, %dma_start3A_188] : memref<10000x128xf32, #tpu.memory_space<hbm>> -> memref<10000x128xf32, #tpu.memory_space<hbm>>
      tpu.enqueue_indirect_dma source(%dma_start3A_189 : memref<10000x128xf32, #tpu.memory_space<hbm>>) target(%arg9 : memref<128x128xf32, #tpu.memory_space<vmem>>) offsets(%dma_start3A_186 : memref<128xi32, #tpu.memory_space<vmem>>) semaphore(%arg12 : memref<!tpu.dma_semaphore, #tpu.memory_space<semaphore_mem>>)
      %dma_wait3A_190 = arith.constant 0 : i32
      %dma_wait3A_191 = arith.constant 0 : i32
      %dma_wait3A_192 = tpu.memref_slice %arg7[%dma_wait3A_190, %dma_wait3A_191] : memref<2x128xi32, #tpu.memory_space<vmem>> -> memref<1x128xi32, #tpu.memory_space<vmem>>
      %dma_wait3A_193 = tpu.memref_squeeze %dma_wait3A_192 : memref<1x128xi32, #tpu.memory_space<vmem>> -> memref<128xi32, #tpu.memory_space<vmem>>
      %dma_wait3A_194 = arith.constant 0 : i32
      %dma_wait3A_195 = arith.constant 0 : i32
      %dma_wait3A_196 = tpu.memref_slice %arg3[%dma_wait3A_194, %dma_wait3A_195] : memref<10000x128xf32, #tpu.memory_space<hbm>> -> memref<10000x128xf32, #tpu.memory_space<hbm>>
      tpu.wait_indirect_dma semaphore(%arg13 : memref<!tpu.dma_semaphore, #tpu.memory_space<semaphore_mem>>) src(%dma_wait3A_196 : memref<10000x128xf32, #tpu.memory_space<hbm>>) dst(%arg10 : memref<128x128xf32, #tpu.memory_space<vmem>>)
      %run_scoped3A_197 = arith.constant 1 : i32
      "tpu.region"() ({
        %run_scoped3A_316 = tpu.sem_alloc : memref<!tpu.dma_semaphore, #tpu.memory_space<semaphore_mem>>
        %dma_start3A_317 = arith.constant 0 : i32
        %dma_start3A_318 = tpu.memref_slice %arg7[%run_scoped3A_197, %dma_start3A_317] : memref<2x128xi32, #tpu.memory_space<vmem>> -> memref<1x128xi32, #tpu.memory_space<vmem>>
        %dma_start3A_319 = tpu.memref_squeeze %dma_start3A_318 : memref<1x128xi32, #tpu.memory_space<vmem>> -> memref<128xi32, #tpu.memory_space<vmem>>
        %dma_start3A_320 = arith.constant 0 : i32
        %dma_start3A_321 = arith.constant 0 : i32
        %dma_start3A_322 = tpu.memref_slice %arg11[%dma_start3A_320, %dma_start3A_321] : memref<10240x128xf32, #tpu.memory_space<vmem_shared>> -> memref<10240x128xf32, #tpu.memory_space<vmem_shared>>
        tpu.enqueue_indirect_dma source(%arg10 : memref<128x128xf32, #tpu.memory_space<vmem>>) target(%dma_start3A_322 : memref<10240x128xf32, #tpu.memory_space<vmem_shared>>) offsets(%dma_start3A_319 : memref<128xi32, #tpu.memory_space<vmem>>) semaphore(%run_scoped3A_316 : memref<!tpu.dma_semaphore, #tpu.memory_space<semaphore_mem>>) {add = true}
        %dma_wait3A_323 = arith.constant 0 : i32
        %dma_wait3A_324 = tpu.memref_slice %arg7[%run_scoped3A_197, %dma_wait3A_323] : memref<2x128xi32, #tpu.memory_space<vmem>> -> memref<1x128xi32, #tpu.memory_space<vmem>>
        %dma_wait3A_325 = tpu.memref_squeeze %dma_wait3A_324 : memref<1x128xi32, #tpu.memory_space<vmem>> -> memref<128xi32, #tpu.memory_space<vmem>>
        %dma_wait3A_326 = arith.constant 0 : i32
        %dma_wait3A_327 = arith.constant 0 : i32
        %dma_wait3A_328 = tpu.memref_slice %arg11[%dma_wait3A_326, %dma_wait3A_327] : memref<10240x128xf32, #tpu.memory_space<vmem_shared>> -> memref<10240x128xf32, #tpu.memory_space<vmem_shared>>
        tpu.wait_indirect_dma semaphore(%run_scoped3A_316 : memref<!tpu.dma_semaphore, #tpu.memory_space<semaphore_mem>>) src(%arg10 : memref<128x128xf32, #tpu.memory_space<vmem>>) dst(%dma_wait3A_328 : memref<10240x128xf32, #tpu.memory_space<vmem_shared>>)
        tpu.yield
      }) : () -> ()
      %add3A_198 = arith.addi %select_n3A_140, %mul3A_158 : i32
      %add3A_199 = arith.constant 1 : i32
      %add3A_200 = arith.addi %add3A_198, %add3A_199 : i32
      %add3A_201 = arith.constant 3 : i32
      %add3A_202 = arith.addi %add3A_200, %add3A_201 : i32
      %mul3A_203 = arith.constant 128 : i32
      %mul3A_204 = arith.muli %add3A_202, %mul3A_203 : i32
      %dma_start3A_205 = arith.constant 0 : i32
      %dma_start3A_206 = tpu.memref_slice %arg2[%dma_start3A_205, %mul3A_204] : memref<2x320000xi32, #tpu.memory_space<hbm>> -> memref<2x128xi32, #tpu.memory_space<hbm>>
      %dma_start3A_207 = arith.constant 0 : i32
      %dma_start3A_208 = tpu.memref_slice %arg2[%dma_start3A_207, %mul3A_204] : memref<2x320000xi32, #tpu.memory_space<hbm>> -> memref<2x128xi32, #tpu.memory_space<hbm>>
      tpu.enqueue_dma source(%dma_start3A_208 : memref<2x128xi32, #tpu.memory_space<hbm>>) target(%arg7 : memref<2x128xi32, #tpu.memory_space<vmem>>) target_semaphore(%arg15 : memref<!tpu.dma_semaphore, #tpu.memory_space<semaphore_mem>>)
      %dma_wait3A_209 = arith.constant 0 : i32
      %dma_wait3A_210 = arith.constant 0 : i32
      %dma_wait3A_211 = tpu.memref_slice %arg2[%dma_wait3A_209, %dma_wait3A_210] : memref<2x320000xi32, #tpu.memory_space<hbm>> -> memref<2x128xi32, #tpu.memory_space<hbm>>
      %dma_wait3A_212 = arith.constant 0 : i32
      %dma_wait3A_213 = arith.constant 0 : i32
      %dma_wait3A_214 = tpu.memref_slice %arg2[%dma_wait3A_212, %dma_wait3A_213] : memref<2x320000xi32, #tpu.memory_space<hbm>> -> memref<2x128xi32, #tpu.memory_space<hbm>>
      tpu.wait_dma2 semaphore(%arg14 : memref<!tpu.dma_semaphore, #tpu.memory_space<semaphore_mem>>) src(%dma_wait3A_214 : memref<2x128xi32, #tpu.memory_space<hbm>>) dst(%arg6 : memref<2x128xi32, #tpu.memory_space<vmem>>)
      %dma_start3A_215 = arith.constant 0 : i32
      %dma_start3A_216 = arith.constant 0 : i32
      %dma_start3A_217 = tpu.memref_slice %arg6[%dma_start3A_215, %dma_start3A_216] : memref<2x128xi32, #tpu.memory_space<vmem>> -> memref<1x128xi32, #tpu.memory_space<vmem>>
      %dma_start3A_218 = tpu.memref_squeeze %dma_start3A_217 : memref<1x128xi32, #tpu.memory_space<vmem>> -> memref<128xi32, #tpu.memory_space<vmem>>
      %dma_start3A_219 = arith.constant 0 : i32
      %dma_start3A_220 = arith.constant 0 : i32
      %dma_start3A_221 = tpu.memref_slice %arg3[%dma_start3A_219, %dma_start3A_220] : memref<10000x128xf32, #tpu.memory_space<hbm>> -> memref<10000x128xf32, #tpu.memory_space<hbm>>
      tpu.enqueue_indirect_dma source(%dma_start3A_221 : memref<10000x128xf32, #tpu.memory_space<hbm>>) target(%arg10 : memref<128x128xf32, #tpu.memory_space<vmem>>) offsets(%dma_start3A_218 : memref<128xi32, #tpu.memory_space<vmem>>) semaphore(%arg13 : memref<!tpu.dma_semaphore, #tpu.memory_space<semaphore_mem>>)
      %dma_wait3A_222 = arith.constant 0 : i32
      %dma_wait3A_223 = arith.constant 0 : i32
      %dma_wait3A_224 = tpu.memref_slice %arg8[%dma_wait3A_222, %dma_wait3A_223] : memref<2x128xi32, #tpu.memory_space<vmem>> -> memref<1x128xi32, #tpu.memory_space<vmem>>
      %dma_wait3A_225 = tpu.memref_squeeze %dma_wait3A_224 : memref<1x128xi32, #tpu.memory_space<vmem>> -> memref<128xi32, #tpu.memory_space<vmem>>
      %dma_wait3A_226 = arith.constant 0 : i32
      %dma_wait3A_227 = arith.constant 0 : i32
      %dma_wait3A_228 = tpu.memref_slice %arg3[%dma_wait3A_226, %dma_wait3A_227] : memref<10000x128xf32, #tpu.memory_space<hbm>> -> memref<10000x128xf32, #tpu.memory_space<hbm>>
      tpu.wait_indirect_dma semaphore(%arg12 : memref<!tpu.dma_semaphore, #tpu.memory_space<semaphore_mem>>) src(%dma_wait3A_228 : memref<10000x128xf32, #tpu.memory_space<hbm>>) dst(%arg9 : memref<128x128xf32, #tpu.memory_space<vmem>>)
      %run_scoped3A_229 = arith.constant 1 : i32
      "tpu.region"() ({
        %run_scoped3A_316 = tpu.sem_alloc : memref<!tpu.dma_semaphore, #tpu.memory_space<semaphore_mem>>
        %dma_start3A_317 = arith.constant 0 : i32
        %dma_start3A_318 = tpu.memref_slice %arg8[%run_scoped3A_229, %dma_start3A_317] : memref<2x128xi32, #tpu.memory_space<vmem>> -> memref<1x128xi32, #tpu.memory_space<vmem>>
        %dma_start3A_319 = tpu.memref_squeeze %dma_start3A_318 : memref<1x128xi32, #tpu.memory_space<vmem>> -> memref<128xi32, #tpu.memory_space<vmem>>
        %dma_start3A_320 = arith.constant 0 : i32
        %dma_start3A_321 = arith.constant 0 : i32
        %dma_start3A_322 = tpu.memref_slice %arg11[%dma_start3A_320, %dma_start3A_321] : memref<10240x128xf32, #tpu.memory_space<vmem_shared>> -> memref<10240x128xf32, #tpu.memory_space<vmem_shared>>
        tpu.enqueue_indirect_dma source(%arg9 : memref<128x128xf32, #tpu.memory_space<vmem>>) target(%dma_start3A_322 : memref<10240x128xf32, #tpu.memory_space<vmem_shared>>) offsets(%dma_start3A_319 : memref<128xi32, #tpu.memory_space<vmem>>) semaphore(%run_scoped3A_316 : memref<!tpu.dma_semaphore, #tpu.memory_space<semaphore_mem>>) {add = true}
        %dma_wait3A_323 = arith.constant 0 : i32
        %dma_wait3A_324 = tpu.memref_slice %arg8[%run_scoped3A_229, %dma_wait3A_323] : memref<2x128xi32, #tpu.memory_space<vmem>> -> memref<1x128xi32, #tpu.memory_space<vmem>>
        %dma_wait3A_325 = tpu.memref_squeeze %dma_wait3A_324 : memref<1x128xi32, #tpu.memory_space<vmem>> -> memref<128xi32, #tpu.memory_space<vmem>>
        %dma_wait3A_326 = arith.constant 0 : i32
        %dma_wait3A_327 = arith.constant 0 : i32
        %dma_wait3A_328 = tpu.memref_slice %arg11[%dma_wait3A_326, %dma_wait3A_327] : memref<10240x128xf32, #tpu.memory_space<vmem_shared>> -> memref<10240x128xf32, #tpu.memory_space<vmem_shared>>
        tpu.wait_indirect_dma semaphore(%run_scoped3A_316 : memref<!tpu.dma_semaphore, #tpu.memory_space<semaphore_mem>>) src(%arg9 : memref<128x128xf32, #tpu.memory_space<vmem>>) dst(%dma_wait3A_328 : memref<10240x128xf32, #tpu.memory_space<vmem_shared>>)
        tpu.yield
      }) : () -> ()
      %add3A_230 = arith.addi %select_n3A_140, %mul3A_158 : i32
      %add3A_231 = arith.constant 2 : i32
      %add3A_232 = arith.addi %add3A_230, %add3A_231 : i32
      %add3A_233 = arith.constant 3 : i32
      %add3A_234 = arith.addi %add3A_232, %add3A_233 : i32
      %mul3A_235 = arith.constant 128 : i32
      %mul3A_236 = arith.muli %add3A_234, %mul3A_235 : i32
      %dma_start3A_237 = arith.constant 0 : i32
      %dma_start3A_238 = tpu.memref_slice %arg2[%dma_start3A_237, %mul3A_236] : memref<2x320000xi32, #tpu.memory_space<hbm>> -> memref<2x128xi32, #tpu.memory_space<hbm>>
      %dma_start3A_239 = arith.constant 0 : i32
      %dma_start3A_240 = tpu.memref_slice %arg2[%dma_start3A_239, %mul3A_236] : memref<2x320000xi32, #tpu.memory_space<hbm>> -> memref<2x128xi32, #tpu.memory_space<hbm>>
      tpu.enqueue_dma source(%dma_start3A_240 : memref<2x128xi32, #tpu.memory_space<hbm>>) target(%arg8 : memref<2x128xi32, #tpu.memory_space<vmem>>) target_semaphore(%arg16 : memref<!tpu.dma_semaphore, #tpu.memory_space<semaphore_mem>>)
      %dma_wait3A_241 = arith.constant 0 : i32
      %dma_wait3A_242 = arith.constant 0 : i32
      %dma_wait3A_243 = tpu.memref_slice %arg2[%dma_wait3A_241, %dma_wait3A_242] : memref<2x320000xi32, #tpu.memory_space<hbm>> -> memref<2x128xi32, #tpu.memory_space<hbm>>
      %dma_wait3A_244 = arith.constant 0 : i32
      %dma_wait3A_245 = arith.constant 0 : i32
      %dma_wait3A_246 = tpu.memref_slice %arg2[%dma_wait3A_244, %dma_wait3A_245] : memref<2x320000xi32, #tpu.memory_space<hbm>> -> memref<2x128xi32, #tpu.memory_space<hbm>>
      tpu.wait_dma2 semaphore(%arg15 : memref<!tpu.dma_semaphore, #tpu.memory_space<semaphore_mem>>) src(%dma_wait3A_246 : memref<2x128xi32, #tpu.memory_space<hbm>>) dst(%arg7 : memref<2x128xi32, #tpu.memory_space<vmem>>)
      %dma_start3A_247 = arith.constant 0 : i32
      %dma_start3A_248 = arith.constant 0 : i32
      %dma_start3A_249 = tpu.memref_slice %arg7[%dma_start3A_247, %dma_start3A_248] : memref<2x128xi32, #tpu.memory_space<vmem>> -> memref<1x128xi32, #tpu.memory_space<vmem>>
      %dma_start3A_250 = tpu.memref_squeeze %dma_start3A_249 : memref<1x128xi32, #tpu.memory_space<vmem>> -> memref<128xi32, #tpu.memory_space<vmem>>
      %dma_start3A_251 = arith.constant 0 : i32
      %dma_start3A_252 = arith.constant 0 : i32
      %dma_start3A_253 = tpu.memref_slice %arg3[%dma_start3A_251, %dma_start3A_252] : memref<10000x128xf32, #tpu.memory_space<hbm>> -> memref<10000x128xf32, #tpu.memory_space<hbm>>
      tpu.enqueue_indirect_dma source(%dma_start3A_253 : memref<10000x128xf32, #tpu.memory_space<hbm>>) target(%arg9 : memref<128x128xf32, #tpu.memory_space<vmem>>) offsets(%dma_start3A_250 : memref<128xi32, #tpu.memory_space<vmem>>) semaphore(%arg12 : memref<!tpu.dma_semaphore, #tpu.memory_space<semaphore_mem>>)
      %dma_wait3A_254 = arith.constant 0 : i32
      %dma_wait3A_255 = arith.constant 0 : i32
      %dma_wait3A_256 = tpu.memref_slice %arg6[%dma_wait3A_254, %dma_wait3A_255] : memref<2x128xi32, #tpu.memory_space<vmem>> -> memref<1x128xi32, #tpu.memory_space<vmem>>
      %dma_wait3A_257 = tpu.memref_squeeze %dma_wait3A_256 : memref<1x128xi32, #tpu.memory_space<vmem>> -> memref<128xi32, #tpu.memory_space<vmem>>
      %dma_wait3A_258 = arith.constant 0 : i32
      %dma_wait3A_259 = arith.constant 0 : i32
      %dma_wait3A_260 = tpu.memref_slice %arg3[%dma_wait3A_258, %dma_wait3A_259] : memref<10000x128xf32, #tpu.memory_space<hbm>> -> memref<10000x128xf32, #tpu.memory_space<hbm>>
      tpu.wait_indirect_dma semaphore(%arg13 : memref<!tpu.dma_semaphore, #tpu.memory_space<semaphore_mem>>) src(%dma_wait3A_260 : memref<10000x128xf32, #tpu.memory_space<hbm>>) dst(%arg10 : memref<128x128xf32, #tpu.memory_space<vmem>>)
      %run_scoped3A_261 = arith.constant 1 : i32
      "tpu.region"() ({
        %run_scoped3A_316 = tpu.sem_alloc : memref<!tpu.dma_semaphore, #tpu.memory_space<semaphore_mem>>
        %dma_start3A_317 = arith.constant 0 : i32
        %dma_start3A_318 = tpu.memref_slice %arg6[%run_scoped3A_261, %dma_start3A_317] : memref<2x128xi32, #tpu.memory_space<vmem>> -> memref<1x128xi32, #tpu.memory_space<vmem>>
        %dma_start3A_319 = tpu.memref_squeeze %dma_start3A_318 : memref<1x128xi32, #tpu.memory_space<vmem>> -> memref<128xi32, #tpu.memory_space<vmem>>
        %dma_start3A_320 = arith.constant 0 : i32
        %dma_start3A_321 = arith.constant 0 : i32
        %dma_start3A_322 = tpu.memref_slice %arg11[%dma_start3A_320, %dma_start3A_321] : memref<10240x128xf32, #tpu.memory_space<vmem_shared>> -> memref<10240x128xf32, #tpu.memory_space<vmem_shared>>
        tpu.enqueue_indirect_dma source(%arg10 : memref<128x128xf32, #tpu.memory_space<vmem>>) target(%dma_start3A_322 : memref<10240x128xf32, #tpu.memory_space<vmem_shared>>) offsets(%dma_start3A_319 : memref<128xi32, #tpu.memory_space<vmem>>) semaphore(%run_scoped3A_316 : memref<!tpu.dma_semaphore, #tpu.memory_space<semaphore_mem>>) {add = true}
        %dma_wait3A_323 = arith.constant 0 : i32
        %dma_wait3A_324 = tpu.memref_slice %arg6[%run_scoped3A_261, %dma_wait3A_323] : memref<2x128xi32, #tpu.memory_space<vmem>> -> memref<1x128xi32, #tpu.memory_space<vmem>>
        %dma_wait3A_325 = tpu.memref_squeeze %dma_wait3A_324 : memref<1x128xi32, #tpu.memory_space<vmem>> -> memref<128xi32, #tpu.memory_space<vmem>>
        %dma_wait3A_326 = arith.constant 0 : i32
        %dma_wait3A_327 = arith.constant 0 : i32
        %dma_wait3A_328 = tpu.memref_slice %arg11[%dma_wait3A_326, %dma_wait3A_327] : memref<10240x128xf32, #tpu.memory_space<vmem_shared>> -> memref<10240x128xf32, #tpu.memory_space<vmem_shared>>
        tpu.wait_indirect_dma semaphore(%run_scoped3A_316 : memref<!tpu.dma_semaphore, #tpu.memory_space<semaphore_mem>>) src(%arg10 : memref<128x128xf32, #tpu.memory_space<vmem>>) dst(%dma_wait3A_328 : memref<10240x128xf32, #tpu.memory_space<vmem_shared>>)
        tpu.yield
      }) : () -> ()
      %lt3A_262 = arith.constant 12 : i32
      %lt3A_263 = arith.cmpi slt, %add3A_156, %lt3A_262 : i32
      %convert_element_type3A_264 = arith.extui %lt3A_263 : i1 to i32
      %cond3A_265 = arith.constant 0 : i32
      %cond3A_266 = arith.cmpi ne, %convert_element_type3A_264, %cond3A_265 : i32
      scf.if %cond3A_266 {
        %add3A_316 = arith.addi %select_n3A_140, %mul3A_158 : i32
        %add3A_317 = arith.constant 3 : i32
        %add3A_318 = arith.addi %add3A_316, %add3A_317 : i32
        %add3A_319 = arith.constant 3 : i32
        %add3A_320 = arith.addi %add3A_318, %add3A_319 : i32
        %mul3A_321 = arith.constant 128 : i32
        %mul3A_322 = arith.muli %add3A_320, %mul3A_321 : i32
        %dma_start3A_323 = arith.constant 0 : i32
        %dma_start3A_324 = tpu.memref_slice %arg2[%dma_start3A_323, %mul3A_322] : memref<2x320000xi32, #tpu.memory_space<hbm>> -> memref<2x128xi32, #tpu.memory_space<hbm>>
        %dma_start3A_325 = arith.constant 0 : i32
        %dma_start3A_326 = tpu.memref_slice %arg2[%dma_start3A_325, %mul3A_322] : memref<2x320000xi32, #tpu.memory_space<hbm>> -> memref<2x128xi32, #tpu.memory_space<hbm>>
        tpu.enqueue_dma source(%dma_start3A_326 : memref<2x128xi32, #tpu.memory_space<hbm>>) target(%arg6 : memref<2x128xi32, #tpu.memory_space<vmem>>) target_semaphore(%arg14 : memref<!tpu.dma_semaphore, #tpu.memory_space<semaphore_mem>>)
      } else {
      }
      %dma_wait3A_267 = arith.constant 0 : i32
      %dma_wait3A_268 = arith.constant 0 : i32
      %dma_wait3A_269 = tpu.memref_slice %arg2[%dma_wait3A_267, %dma_wait3A_268] : memref<2x320000xi32, #tpu.memory_space<hbm>> -> memref<2x128xi32, #tpu.memory_space<hbm>>
      %dma_wait3A_270 = arith.constant 0 : i32
      %dma_wait3A_271 = arith.constant 0 : i32
      %dma_wait3A_272 = tpu.memref_slice %arg2[%dma_wait3A_270, %dma_wait3A_271] : memref<2x320000xi32, #tpu.memory_space<hbm>> -> memref<2x128xi32, #tpu.memory_space<hbm>>
      tpu.wait_dma2 semaphore(%arg16 : memref<!tpu.dma_semaphore, #tpu.memory_space<semaphore_mem>>) src(%dma_wait3A_272 : memref<2x128xi32, #tpu.memory_space<hbm>>) dst(%arg8 : memref<2x128xi32, #tpu.memory_space<vmem>>)
      %dma_start3A_273 = arith.constant 0 : i32
      %dma_start3A_274 = arith.constant 0 : i32
      %dma_start3A_275 = tpu.memref_slice %arg8[%dma_start3A_273, %dma_start3A_274] : memref<2x128xi32, #tpu.memory_space<vmem>> -> memref<1x128xi32, #tpu.memory_space<vmem>>
      %dma_start3A_276 = tpu.memref_squeeze %dma_start3A_275 : memref<1x128xi32, #tpu.memory_space<vmem>> -> memref<128xi32, #tpu.memory_space<vmem>>
      %dma_start3A_277 = arith.constant 0 : i32
      %dma_start3A_278 = arith.constant 0 : i32
      %dma_start3A_279 = tpu.memref_slice %arg3[%dma_start3A_277, %dma_start3A_278] : memref<10000x128xf32, #tpu.memory_space<hbm>> -> memref<10000x128xf32, #tpu.memory_space<hbm>>
      tpu.enqueue_indirect_dma source(%dma_start3A_279 : memref<10000x128xf32, #tpu.memory_space<hbm>>) target(%arg10 : memref<128x128xf32, #tpu.memory_space<vmem>>) offsets(%dma_start3A_276 : memref<128xi32, #tpu.memory_space<vmem>>) semaphore(%arg13 : memref<!tpu.dma_semaphore, #tpu.memory_space<semaphore_mem>>)
      %dma_wait3A_280 = arith.constant 0 : i32
      %dma_wait3A_281 = arith.constant 0 : i32
      %dma_wait3A_282 = tpu.memref_slice %arg7[%dma_wait3A_280, %dma_wait3A_281] : memref<2x128xi32, #tpu.memory_space<vmem>> -> memref<1x128xi32, #tpu.memory_space<vmem>>
      %dma_wait3A_283 = tpu.memref_squeeze %dma_wait3A_282 : memref<1x128xi32, #tpu.memory_space<vmem>> -> memref<128xi32, #tpu.memory_space<vmem>>
      %dma_wait3A_284 = arith.constant 0 : i32
      %dma_wait3A_285 = arith.constant 0 : i32
      %dma_wait3A_286 = tpu.memref_slice %arg3[%dma_wait3A_284, %dma_wait3A_285] : memref<10000x128xf32, #tpu.memory_space<hbm>> -> memref<10000x128xf32, #tpu.memory_space<hbm>>
      tpu.wait_indirect_dma semaphore(%arg12 : memref<!tpu.dma_semaphore, #tpu.memory_space<semaphore_mem>>) src(%dma_wait3A_286 : memref<10000x128xf32, #tpu.memory_space<hbm>>) dst(%arg9 : memref<128x128xf32, #tpu.memory_space<vmem>>)
      %run_scoped3A_287 = arith.constant 1 : i32
      "tpu.region"() ({
        %run_scoped3A_316 = tpu.sem_alloc : memref<!tpu.dma_semaphore, #tpu.memory_space<semaphore_mem>>
        %dma_start3A_317 = arith.constant 0 : i32
        %dma_start3A_318 = tpu.memref_slice %arg7[%run_scoped3A_287, %dma_start3A_317] : memref<2x128xi32, #tpu.memory_space<vmem>> -> memref<1x128xi32, #tpu.memory_space<vmem>>
        %dma_start3A_319 = tpu.memref_squeeze %dma_start3A_318 : memref<1x128xi32, #tpu.memory_space<vmem>> -> memref<128xi32, #tpu.memory_space<vmem>>
        %dma_start3A_320 = arith.constant 0 : i32
        %dma_start3A_321 = arith.constant 0 : i32
        %dma_start3A_322 = tpu.memref_slice %arg11[%dma_start3A_320, %dma_start3A_321] : memref<10240x128xf32, #tpu.memory_space<vmem_shared>> -> memref<10240x128xf32, #tpu.memory_space<vmem_shared>>
        tpu.enqueue_indirect_dma source(%arg9 : memref<128x128xf32, #tpu.memory_space<vmem>>) target(%dma_start3A_322 : memref<10240x128xf32, #tpu.memory_space<vmem_shared>>) offsets(%dma_start3A_319 : memref<128xi32, #tpu.memory_space<vmem>>) semaphore(%run_scoped3A_316 : memref<!tpu.dma_semaphore, #tpu.memory_space<semaphore_mem>>) {add = true}
        %dma_wait3A_323 = arith.constant 0 : i32
        %dma_wait3A_324 = tpu.memref_slice %arg7[%run_scoped3A_287, %dma_wait3A_323] : memref<2x128xi32, #tpu.memory_space<vmem>> -> memref<1x128xi32, #tpu.memory_space<vmem>>
        %dma_wait3A_325 = tpu.memref_squeeze %dma_wait3A_324 : memref<1x128xi32, #tpu.memory_space<vmem>> -> memref<128xi32, #tpu.memory_space<vmem>>
        %dma_wait3A_326 = arith.constant 0 : i32
        %dma_wait3A_327 = arith.constant 0 : i32
        %dma_wait3A_328 = tpu.memref_slice %arg11[%dma_wait3A_326, %dma_wait3A_327] : memref<10240x128xf32, #tpu.memory_space<vmem_shared>> -> memref<10240x128xf32, #tpu.memory_space<vmem_shared>>
        tpu.wait_indirect_dma semaphore(%run_scoped3A_316 : memref<!tpu.dma_semaphore, #tpu.memory_space<semaphore_mem>>) src(%arg9 : memref<128x128xf32, #tpu.memory_space<vmem>>) dst(%dma_wait3A_328 : memref<10240x128xf32, #tpu.memory_space<vmem_shared>>)
        tpu.yield
      }) : () -> ()
      %lt3A_288 = arith.constant 12 : i32
      %lt3A_289 = arith.cmpi slt, %add3A_156, %lt3A_288 : i32
      %convert_element_type3A_290 = arith.extui %lt3A_289 : i1 to i32
      %cond3A_291 = arith.constant 0 : i32
      %cond3A_292 = arith.cmpi ne, %convert_element_type3A_290, %cond3A_291 : i32
      scf.if %cond3A_292 {
        %add3A_316 = arith.addi %select_n3A_140, %mul3A_158 : i32
        %add3A_317 = arith.constant 4 : i32
        %add3A_318 = arith.addi %add3A_316, %add3A_317 : i32
        %add3A_319 = arith.constant 3 : i32
        %add3A_320 = arith.addi %add3A_318, %add3A_319 : i32
        %mul3A_321 = arith.constant 128 : i32
        %mul3A_322 = arith.muli %add3A_320, %mul3A_321 : i32
        %dma_start3A_323 = arith.constant 0 : i32
        %dma_start3A_324 = tpu.memref_slice %arg2[%dma_start3A_323, %mul3A_322] : memref<2x320000xi32, #tpu.memory_space<hbm>> -> memref<2x128xi32, #tpu.memory_space<hbm>>
        %dma_start3A_325 = arith.constant 0 : i32
        %dma_start3A_326 = tpu.memref_slice %arg2[%dma_start3A_325, %mul3A_322] : memref<2x320000xi32, #tpu.memory_space<hbm>> -> memref<2x128xi32, #tpu.memory_space<hbm>>
        tpu.enqueue_dma source(%dma_start3A_326 : memref<2x128xi32, #tpu.memory_space<hbm>>) target(%arg7 : memref<2x128xi32, #tpu.memory_space<vmem>>) target_semaphore(%arg15 : memref<!tpu.dma_semaphore, #tpu.memory_space<semaphore_mem>>)
      } else {
      }
      %lt3A_293 = arith.constant 12 : i32
      %lt3A_294 = arith.cmpi slt, %add3A_156, %lt3A_293 : i32
      %convert_element_type3A_295 = arith.extui %lt3A_294 : i1 to i32
      %cond3A_296 = arith.constant 0 : i32
      %cond3A_297 = arith.cmpi ne, %convert_element_type3A_295, %cond3A_296 : i32
      scf.if %cond3A_297 {
        %dma_wait3A_316 = arith.constant 0 : i32
        %dma_wait3A_317 = arith.constant 0 : i32
        %dma_wait3A_318 = tpu.memref_slice %arg2[%dma_wait3A_316, %dma_wait3A_317] : memref<2x320000xi32, #tpu.memory_space<hbm>> -> memref<2x128xi32, #tpu.memory_space<hbm>>
        %dma_wait3A_319 = arith.constant 0 : i32
        %dma_wait3A_320 = arith.constant 0 : i32
        %dma_wait3A_321 = tpu.memref_slice %arg2[%dma_wait3A_319, %dma_wait3A_320] : memref<2x320000xi32, #tpu.memory_space<hbm>> -> memref<2x128xi32, #tpu.memory_space<hbm>>
        tpu.wait_dma2 semaphore(%arg14 : memref<!tpu.dma_semaphore, #tpu.memory_space<semaphore_mem>>) src(%dma_wait3A_321 : memref<2x128xi32, #tpu.memory_space<hbm>>) dst(%arg6 : memref<2x128xi32, #tpu.memory_space<vmem>>)
        %dma_start3A_322 = arith.constant 0 : i32
        %dma_start3A_323 = arith.constant 0 : i32
        %dma_start3A_324 = tpu.memref_slice %arg6[%dma_start3A_322, %dma_start3A_323] : memref<2x128xi32, #tpu.memory_space<vmem>> -> memref<1x128xi32, #tpu.memory_space<vmem>>
        %dma_start3A_325 = tpu.memref_squeeze %dma_start3A_324 : memref<1x128xi32, #tpu.memory_space<vmem>> -> memref<128xi32, #tpu.memory_space<vmem>>
        %dma_start3A_326 = arith.constant 0 : i32
        %dma_start3A_327 = arith.constant 0 : i32
        %dma_start3A_328 = tpu.memref_slice %arg3[%dma_start3A_326, %dma_start3A_327] : memref<10000x128xf32, #tpu.memory_space<hbm>> -> memref<10000x128xf32, #tpu.memory_space<hbm>>
        tpu.enqueue_indirect_dma source(%dma_start3A_328 : memref<10000x128xf32, #tpu.memory_space<hbm>>) target(%arg9 : memref<128x128xf32, #tpu.memory_space<vmem>>) offsets(%dma_start3A_325 : memref<128xi32, #tpu.memory_space<vmem>>) semaphore(%arg12 : memref<!tpu.dma_semaphore, #tpu.memory_space<semaphore_mem>>)
      } else {
      }
      %dma_wait3A_298 = arith.constant 0 : i32
      %dma_wait3A_299 = arith.constant 0 : i32
      %dma_wait3A_300 = tpu.memref_slice %arg8[%dma_wait3A_298, %dma_wait3A_299] : memref<2x128xi32, #tpu.memory_space<vmem>> -> memref<1x128xi32, #tpu.memory_space<vmem>>
      %dma_wait3A_301 = tpu.memref_squeeze %dma_wait3A_300 : memref<1x128xi32, #tpu.memory_space<vmem>> -> memref<128xi32, #tpu.memory_space<vmem>>
      %dma_wait3A_302 = arith.constant 0 : i32
      %dma_wait3A_303 = arith.constant 0 : i32
      %dma_wait3A_304 = tpu.memref_slice %arg3[%dma_wait3A_302, %dma_wait3A_303] : memref<10000x128xf32, #tpu.memory_space<hbm>> -> memref<10000x128xf32, #tpu.memory_space<hbm>>
      tpu.wait_indirect_dma semaphore(%arg13 : memref<!tpu.dma_semaphore, #tpu.memory_space<semaphore_mem>>) src(%dma_wait3A_304 : memref<10000x128xf32, #tpu.memory_space<hbm>>) dst(%arg10 : memref<128x128xf32, #tpu.memory_space<vmem>>)
      %run_scoped3A_305 = arith.constant 1 : i32
      "tpu.region"() ({
        %run_scoped3A_316 = tpu.sem_alloc : memref<!tpu.dma_semaphore, #tpu.memory_space<semaphore_mem>>
        %dma_start3A_317 = arith.constant 0 : i32
        %dma_start3A_318 = tpu.memref_slice %arg8[%run_scoped3A_305, %dma_start3A_317] : memref<2x128xi32, #tpu.memory_space<vmem>> -> memref<1x128xi32, #tpu.memory_space<vmem>>
        %dma_start3A_319 = tpu.memref_squeeze %dma_start3A_318 : memref<1x128xi32, #tpu.memory_space<vmem>> -> memref<128xi32, #tpu.memory_space<vmem>>
        %dma_start3A_320 = arith.constant 0 : i32
        %dma_start3A_321 = arith.constant 0 : i32
        %dma_start3A_322 = tpu.memref_slice %arg11[%dma_start3A_320, %dma_start3A_321] : memref<10240x128xf32, #tpu.memory_space<vmem_shared>> -> memref<10240x128xf32, #tpu.memory_space<vmem_shared>>
        tpu.enqueue_indirect_dma source(%arg10 : memref<128x128xf32, #tpu.memory_space<vmem>>) target(%dma_start3A_322 : memref<10240x128xf32, #tpu.memory_space<vmem_shared>>) offsets(%dma_start3A_319 : memref<128xi32, #tpu.memory_space<vmem>>) semaphore(%run_scoped3A_316 : memref<!tpu.dma_semaphore, #tpu.memory_space<semaphore_mem>>) {add = true}
        %dma_wait3A_323 = arith.constant 0 : i32
        %dma_wait3A_324 = tpu.memref_slice %arg8[%run_scoped3A_305, %dma_wait3A_323] : memref<2x128xi32, #tpu.memory_space<vmem>> -> memref<1x128xi32, #tpu.memory_space<vmem>>
        %dma_wait3A_325 = tpu.memref_squeeze %dma_wait3A_324 : memref<1x128xi32, #tpu.memory_space<vmem>> -> memref<128xi32, #tpu.memory_space<vmem>>
        %dma_wait3A_326 = arith.constant 0 : i32
        %dma_wait3A_327 = arith.constant 0 : i32
        %dma_wait3A_328 = tpu.memref_slice %arg11[%dma_wait3A_326, %dma_wait3A_327] : memref<10240x128xf32, #tpu.memory_space<vmem_shared>> -> memref<10240x128xf32, #tpu.memory_space<vmem_shared>>
        tpu.wait_indirect_dma semaphore(%run_scoped3A_316 : memref<!tpu.dma_semaphore, #tpu.memory_space<semaphore_mem>>) src(%arg10 : memref<128x128xf32, #tpu.memory_space<vmem>>) dst(%dma_wait3A_328 : memref<10240x128xf32, #tpu.memory_space<vmem_shared>>)
        tpu.yield
      }) : () -> ()
      %lt3A_306 = arith.constant 12 : i32
      %lt3A_307 = arith.cmpi slt, %add3A_156, %lt3A_306 : i32
      %convert_element_type3A_308 = arith.extui %lt3A_307 : i1 to i32
      %cond3A_309 = arith.constant 0 : i32
      %cond3A_310 = arith.cmpi ne, %convert_element_type3A_308, %cond3A_309 : i32
      scf.if %cond3A_310 {
        %add3A_316 = arith.addi %select_n3A_140, %mul3A_158 : i32
        %add3A_317 = arith.constant 5 : i32
        %add3A_318 = arith.addi %add3A_316, %add3A_317 : i32
        %add3A_319 = arith.constant 3 : i32
        %add3A_320 = arith.addi %add3A_318, %add3A_319 : i32
        %mul3A_321 = arith.constant 128 : i32
        %mul3A_322 = arith.muli %add3A_320, %mul3A_321 : i32
        %dma_start3A_323 = arith.constant 0 : i32
        %dma_start3A_324 = tpu.memref_slice %arg2[%dma_start3A_323, %mul3A_322] : memref<2x320000xi32, #tpu.memory_space<hbm>> -> memref<2x128xi32, #tpu.memory_space<hbm>>
        %dma_start3A_325 = arith.constant 0 : i32
        %dma_start3A_326 = tpu.memref_slice %arg2[%dma_start3A_325, %mul3A_322] : memref<2x320000xi32, #tpu.memory_space<hbm>> -> memref<2x128xi32, #tpu.memory_space<hbm>>
        tpu.enqueue_dma source(%dma_start3A_326 : memref<2x128xi32, #tpu.memory_space<hbm>>) target(%arg8 : memref<2x128xi32, #tpu.memory_space<vmem>>) target_semaphore(%arg16 : memref<!tpu.dma_semaphore, #tpu.memory_space<semaphore_mem>>)
      } else {
      }
      %lt3A_311 = arith.constant 12 : i32
      %lt3A_312 = arith.cmpi slt, %add3A_156, %lt3A_311 : i32
      %convert_element_type3A_313 = arith.extui %lt3A_312 : i1 to i32
      %cond3A_314 = arith.constant 0 : i32
      %cond3A_315 = arith.cmpi ne, %convert_element_type3A_313, %cond3A_314 : i32
      scf.if %cond3A_315 {
        %dma_wait3A_316 = arith.constant 0 : i32
        %dma_wait3A_317 = arith.constant 0 : i32
        %dma_wait3A_318 = tpu.memref_slice %arg2[%dma_wait3A_316, %dma_wait3A_317] : memref<2x320000xi32, #tpu.memory_space<hbm>> -> memref<2x128xi32, #tpu.memory_space<hbm>>
        %dma_wait3A_319 = arith.constant 0 : i32
        %dma_wait3A_320 = arith.constant 0 : i32
        %dma_wait3A_321 = tpu.memref_slice %arg2[%dma_wait3A_319, %dma_wait3A_320] : memref<2x320000xi32, #tpu.memory_space<hbm>> -> memref<2x128xi32, #tpu.memory_space<hbm>>
        tpu.wait_dma2 semaphore(%arg15 : memref<!tpu.dma_semaphore, #tpu.memory_space<semaphore_mem>>) src(%dma_wait3A_321 : memref<2x128xi32, #tpu.memory_space<hbm>>) dst(%arg7 : memref<2x128xi32, #tpu.memory_space<vmem>>)
        %dma_start3A_322 = arith.constant 0 : i32
        %dma_start3A_323 = arith.constant 0 : i32
        %dma_start3A_324 = tpu.memref_slice %arg7[%dma_start3A_322, %dma_start3A_323] : memref<2x128xi32, #tpu.memory_space<vmem>> -> memref<1x128xi32, #tpu.memory_space<vmem>>
        %dma_start3A_325 = tpu.memref_squeeze %dma_start3A_324 : memref<1x128xi32, #tpu.memory_space<vmem>> -> memref<128xi32, #tpu.memory_space<vmem>>
        %dma_start3A_326 = arith.constant 0 : i32
        %dma_start3A_327 = arith.constant 0 : i32
        %dma_start3A_328 = tpu.memref_slice %arg3[%dma_start3A_326, %dma_start3A_327] : memref<10000x128xf32, #tpu.memory_space<hbm>> -> memref<10000x128xf32, #tpu.memory_space<hbm>>
        tpu.enqueue_indirect_dma source(%dma_start3A_328 : memref<10000x128xf32, #tpu.memory_space<hbm>>) target(%arg10 : memref<128x128xf32, #tpu.memory_space<vmem>>) offsets(%dma_start3A_325 : memref<128xi32, #tpu.memory_space<vmem>>) semaphore(%arg13 : memref<!tpu.dma_semaphore, #tpu.memory_space<semaphore_mem>>)
      } else {
      }
    }
    %scan3A_144 = arith.constant 13 : i32
    %lt3A = arith.constant 4 : i32
    %lt3A_145 = arith.cmpi slt, %add3A, %lt3A : i32
    %convert_element_type3A = arith.extui %lt3A_145 : i1 to i32
    %cond3A = arith.constant 0 : i32
    %cond3A_146 = arith.cmpi ne, %convert_element_type3A, %cond3A : i32
    scf.if %cond3A_146 {
      %mul3A_152 = arith.constant 128 : i32
      %mul3A_153 = arith.muli %add3A, %mul3A_152 : i32
      %add3A_154 = arith.constant 319488 : i32
      %add3A_155 = arith.addi %add3A_154, %mul3A_153 : i32
      "tpu.region"() ({
        %run_scoped3A_170 = tpu.sem_alloc : memref<!tpu.dma_semaphore, #tpu.memory_space<semaphore_mem>>
        %dma_start3A_171 = arith.constant 0 : i32
        %dma_start3A_172 = tpu.memref_slice %arg2[%dma_start3A_171, %add3A_155] : memref<2x320000xi32, #tpu.memory_space<hbm>> -> memref<2x128xi32, #tpu.memory_space<hbm>>
        %dma_start3A_173 = arith.constant 0 : i32
        %dma_start3A_174 = tpu.memref_slice %arg2[%dma_start3A_173, %add3A_155] : memref<2x320000xi32, #tpu.memory_space<hbm>> -> memref<2x128xi32, #tpu.memory_space<hbm>>
        tpu.enqueue_dma source(%dma_start3A_174 : memref<2x128xi32, #tpu.memory_space<hbm>>) target(%arg6 : memref<2x128xi32, #tpu.memory_space<vmem>>) target_semaphore(%run_scoped3A_170 : memref<!tpu.dma_semaphore, #tpu.memory_space<semaphore_mem>>)
        %dma_wait3A_175 = arith.constant 0 : i32
        %dma_wait3A_176 = tpu.memref_slice %arg2[%dma_wait3A_175, %add3A_155] : memref<2x320000xi32, #tpu.memory_space<hbm>> -> memref<2x128xi32, #tpu.memory_space<hbm>>
        %dma_wait3A_177 = arith.constant 0 : i32
        %dma_wait3A_178 = tpu.memref_slice %arg2[%dma_wait3A_177, %add3A_155] : memref<2x320000xi32, #tpu.memory_space<hbm>> -> memref<2x128xi32, #tpu.memory_space<hbm>>
        tpu.wait_dma2 semaphore(%run_scoped3A_170 : memref<!tpu.dma_semaphore, #tpu.memory_space<semaphore_mem>>) src(%dma_wait3A_178 : memref<2x128xi32, #tpu.memory_space<hbm>>) dst(%arg6 : memref<2x128xi32, #tpu.memory_space<vmem>>)
        tpu.yield
      }) : () -> ()
      %dma_start3A_156 = arith.constant 0 : i32
      %dma_start3A_157 = arith.constant 0 : i32
      %dma_start3A_158 = tpu.memref_slice %arg6[%dma_start3A_156, %dma_start3A_157] : memref<2x128xi32, #tpu.memory_space<vmem>> -> memref<1x128xi32, #tpu.memory_space<vmem>>
      %dma_start3A_159 = tpu.memref_squeeze %dma_start3A_158 : memref<1x128xi32, #tpu.memory_space<vmem>> -> memref<128xi32, #tpu.memory_space<vmem>>
      %dma_start3A_160 = arith.constant 0 : i32
      %dma_start3A_161 = arith.constant 0 : i32
      %dma_start3A_162 = tpu.memref_slice %arg3[%dma_start3A_160, %dma_start3A_161] : memref<10000x128xf32, #tpu.memory_space<hbm>> -> memref<10000x128xf32, #tpu.memory_space<hbm>>
      tpu.enqueue_indirect_dma source(%dma_start3A_162 : memref<10000x128xf32, #tpu.memory_space<hbm>>) target(%arg9 : memref<128x128xf32, #tpu.memory_space<vmem>>) offsets(%dma_start3A_159 : memref<128xi32, #tpu.memory_space<vmem>>) semaphore(%arg12 : memref<!tpu.dma_semaphore, #tpu.memory_space<semaphore_mem>>)
      %dma_wait3A_163 = arith.constant 0 : i32
      %dma_wait3A_164 = arith.constant 0 : i32
      %dma_wait3A_165 = tpu.memref_slice %arg6[%dma_wait3A_163, %dma_wait3A_164] : memref<2x128xi32, #tpu.memory_space<vmem>> -> memref<1x128xi32, #tpu.memory_space<vmem>>
      %dma_wait3A_166 = tpu.memref_squeeze %dma_wait3A_165 : memref<1x128xi32, #tpu.memory_space<vmem>> -> memref<128xi32, #tpu.memory_space<vmem>>
      %dma_wait3A_167 = arith.constant 0 : i32
      %dma_wait3A_168 = arith.constant 0 : i32
      %dma_wait3A_169 = tpu.memref_slice %arg3[%dma_wait3A_167, %dma_wait3A_168] : memref<10000x128xf32, #tpu.memory_space<hbm>> -> memref<10000x128xf32, #tpu.memory_space<hbm>>
      tpu.wait_indirect_dma semaphore(%arg12 : memref<!tpu.dma_semaphore, #tpu.memory_space<semaphore_mem>>) src(%dma_wait3A_169 : memref<10000x128xf32, #tpu.memory_space<hbm>>) dst(%arg9 : memref<128x128xf32, #tpu.memory_space<vmem>>)
      %run_scoped3A = arith.constant 1 : i32
      "tpu.region"() ({
        %run_scoped3A_170 = tpu.sem_alloc : memref<!tpu.dma_semaphore, #tpu.memory_space<semaphore_mem>>
        %dma_start3A_171 = arith.constant 0 : i32
        %dma_start3A_172 = tpu.memref_slice %arg6[%run_scoped3A, %dma_start3A_171] : memref<2x128xi32, #tpu.memory_space<vmem>> -> memref<1x128xi32, #tpu.memory_space<vmem>>
        %dma_start3A_173 = tpu.memref_squeeze %dma_start3A_172 : memref<1x128xi32, #tpu.memory_space<vmem>> -> memref<128xi32, #tpu.memory_space<vmem>>
        %dma_start3A_174 = arith.constant 0 : i32
        %dma_start3A_175 = arith.constant 0 : i32
        %dma_start3A_176 = tpu.memref_slice %arg11[%dma_start3A_174, %dma_start3A_175] : memref<10240x128xf32, #tpu.memory_space<vmem_shared>> -> memref<10240x128xf32, #tpu.memory_space<vmem_shared>>
        tpu.enqueue_indirect_dma source(%arg9 : memref<128x128xf32, #tpu.memory_space<vmem>>) target(%dma_start3A_176 : memref<10240x128xf32, #tpu.memory_space<vmem_shared>>) offsets(%dma_start3A_173 : memref<128xi32, #tpu.memory_space<vmem>>) semaphore(%run_scoped3A_170 : memref<!tpu.dma_semaphore, #tpu.memory_space<semaphore_mem>>) {add = true}
        %dma_wait3A_177 = arith.constant 0 : i32
        %dma_wait3A_178 = tpu.memref_slice %arg6[%run_scoped3A, %dma_wait3A_177] : memref<2x128xi32, #tpu.memory_space<vmem>> -> memref<1x128xi32, #tpu.memory_space<vmem>>
        %dma_wait3A_179 = tpu.memref_squeeze %dma_wait3A_178 : memref<1x128xi32, #tpu.memory_space<vmem>> -> memref<128xi32, #tpu.memory_space<vmem>>
        %dma_wait3A_180 = arith.constant 0 : i32
        %dma_wait3A_181 = arith.constant 0 : i32
        %dma_wait3A_182 = tpu.memref_slice %arg11[%dma_wait3A_180, %dma_wait3A_181] : memref<10240x128xf32, #tpu.memory_space<vmem_shared>> -> memref<10240x128xf32, #tpu.memory_space<vmem_shared>>
        tpu.wait_indirect_dma semaphore(%run_scoped3A_170 : memref<!tpu.dma_semaphore, #tpu.memory_space<semaphore_mem>>) src(%arg9 : memref<128x128xf32, #tpu.memory_space<vmem>>) dst(%dma_wait3A_182 : memref<10240x128xf32, #tpu.memory_space<vmem_shared>>)
        tpu.yield
      }) : () -> ()
    } else {
    }
    %barrier3A_147 = arith.constant 0 : index
    tpu.barrier barrier_id(%barrier3A_147)
    %mul3A_148 = arith.constant 640 : i32
    %mul3A_149 = arith.muli %arg1, %mul3A_148 : i32
    %mul3A_150 = arith.constant 640 : i32
    %mul3A_151 = arith.muli %arg1, %mul3A_150 : i32
    "tpu.region"() ({
      %run_scoped3A = tpu.sem_alloc : memref<!tpu.dma_semaphore, #tpu.memory_space<semaphore_mem>>
      %dma_start3A_152 = arith.constant 0 : i32
      %dma_start3A_153 = tpu.memref_slice %arg5[%arg0, %mul3A_151, %dma_start3A_152] : memref<2x10240x128xf32, #tpu.memory_space<hbm>> -> memref<1x640x128xf32, #tpu.memory_space<hbm>>
      %dma_start3A_154 = tpu.memref_squeeze %dma_start3A_153 : memref<1x640x128xf32, #tpu.memory_space<hbm>> -> memref<640x128xf32, #tpu.memory_space<hbm>>
      %dma_start3A_155 = arith.constant 0 : i32
      %dma_start3A_156 = tpu.memref_slice %arg11[%mul3A_149, %dma_start3A_155] : memref<10240x128xf32, #tpu.memory_space<vmem_shared>> -> memref<640x128xf32, #tpu.memory_space<vmem_shared>>
      tpu.enqueue_dma source(%dma_start3A_156 : memref<640x128xf32, #tpu.memory_space<vmem_shared>>) target(%dma_start3A_154 : memref<640x128xf32, #tpu.memory_space<hbm>>) target_semaphore(%run_scoped3A : memref<!tpu.dma_semaphore, #tpu.memory_space<semaphore_mem>>)
      %dma_wait3A_157 = arith.constant 0 : i32
      %dma_wait3A_158 = tpu.memref_slice %arg5[%arg0, %mul3A_151, %dma_wait3A_157] : memref<2x10240x128xf32, #tpu.memory_space<hbm>> -> memref<1x640x128xf32, #tpu.memory_space<hbm>>
      %dma_wait3A_159 = tpu.memref_squeeze %dma_wait3A_158 : memref<1x640x128xf32, #tpu.memory_space<hbm>> -> memref<640x128xf32, #tpu.memory_space<hbm>>
      %dma_wait3A_160 = arith.constant 0 : i32
      %dma_wait3A_161 = tpu.memref_slice %arg11[%mul3A_149, %dma_wait3A_160] : memref<10240x128xf32, #tpu.memory_space<vmem_shared>> -> memref<640x128xf32, #tpu.memory_space<vmem_shared>>
      tpu.wait_dma2 semaphore(%run_scoped3A : memref<!tpu.dma_semaphore, #tpu.memory_space<semaphore_mem>>) src(%dma_wait3A_161 : memref<640x128xf32, #tpu.memory_space<vmem_shared>>) dst(%dma_wait3A_159 : memref<640x128xf32, #tpu.memory_space<hbm>>)
      tpu.yield
    }) : () -> ()
    return
  }
}

module attributes {stable_mosaic.version = 14 : i64} {
  func.func @_epilogue_body(%arg0: i32, %arg1: memref<16x128xf32, #tpu.memory_space<vmem>>, %arg2: memref<2048x128xf32, #tpu.memory_space<vmem>>, %arg3: memref<2x2048x128xf32, #tpu.memory_space<vmem>>, %arg4: memref<1x128xf32, #tpu.memory_space<vmem>>, %arg5: memref<2048x128xf32, #tpu.memory_space<vmem>>) attributes {dimension_semantics = [#tpu.dimension_semantics<arbitrary>], iteration_bounds = array<i64: 5>, scalar_prefetch = 0 : i64, scratch_operands = 0 : i64, tpu.core_type = #tpu.core_type<tc>, window_params = [{transform_indices = @transform_0, window_bounds = array<i64: 16, 128>}, {transform_indices = @transform_1, window_bounds = array<i64: 2048, 128>}, {transform_indices = @transform_2, window_bounds = array<i64: 2, 2048, 128>}, {pipeline_mode = #tpu.pipeline_mode<synchronous>, transform_indices = @transform_3, window_bounds = array<i64: 1, 128>}, {transform_indices = @transform_4, window_bounds = array<i64: 2048, 128>}]} {
    %get3A = arith.constant 0 : index
    %get3A_0 = arith.constant 0 : index
    %get3A_1 = arith.constant 0 : index
    %get3A_2 = vector.load %arg3[%get3A, %get3A_0, %get3A_1] : memref<2x2048x128xf32, #tpu.memory_space<vmem>>, vector<1x2048x128xf32>
    %get3A_3 = vector.shape_cast %get3A_2 : vector<1x2048x128xf32> to vector<2048x128xf32>
    %get3A_4 = arith.constant 1 : index
    %get3A_5 = arith.constant 0 : index
    %get3A_6 = arith.constant 0 : index
    %get3A_7 = vector.load %arg3[%get3A_4, %get3A_5, %get3A_6] : memref<2x2048x128xf32, #tpu.memory_space<vmem>>, vector<1x2048x128xf32>
    %get3A_8 = vector.shape_cast %get3A_7 : vector<1x2048x128xf32> to vector<2048x128xf32>
    %add3A = arith.addf %get3A_3, %get3A_8 : vector<2048x128xf32>
    %get3A_9 = arith.constant 0 : index
    %get3A_10 = arith.constant 0 : index
    %get3A_11 = vector.load %arg2[%get3A_9, %get3A_10] : memref<2048x128xf32, #tpu.memory_space<vmem>>, vector<2048x128xf32>
    %add3A_12 = arith.addf %add3A, %get3A_11 : vector<2048x128xf32>
    %reshape3A = vector.shape_cast %add3A_12 : vector<2048x128xf32> to vector<16x128x128xf32>
    %get3A_13 = arith.constant 0 : index
    %get3A_14 = arith.constant 0 : index
    %get3A_15 = vector.load %arg1[%get3A_13, %get3A_14] : memref<16x128xf32, #tpu.memory_space<vmem>>, vector<16x128xf32>
    %broadcast_in_dim3A = vector.shape_cast %get3A_15 : vector<16x128xf32> to vector<16x128x1xf32>
    %mul3A = vector.broadcast %broadcast_in_dim3A : vector<16x128x1xf32> to vector<16x128x128xf32>
    %mul3A_16 = arith.mulf %reshape3A, %mul3A : vector<16x128x128xf32>
    %reshape3A_17 = vector.shape_cast %mul3A_16 : vector<16x128x128xf32> to vector<2048x128xf32>
    %get3A_18 = arith.constant 0 : index
    %get3A_19 = arith.constant 0 : index
    %get3A_20 = vector.load %arg4[%get3A_18, %get3A_19] : memref<1x128xf32, #tpu.memory_space<vmem>>, vector<1x128xf32>
    %add3A_21 = vector.broadcast %get3A_20 : vector<1x128xf32> to vector<2048x128xf32>
    %add3A_22 = arith.addf %reshape3A_17, %add3A_21 : vector<2048x128xf32>
    %swap3A = arith.constant 0 : index
    %swap3A_23 = arith.constant 0 : index
    %swap3A_24 = vector.load %arg5[%swap3A, %swap3A_23] : memref<2048x128xf32, #tpu.memory_space<vmem>>, vector<2048x128xf32>
    tpu.vector_store %arg5[%swap3A, %swap3A_23], %add3A_22 {strides = array<i32>} : memref<2048x128xf32, #tpu.memory_space<vmem>>, vector<2048x128xf32>,
    return
  }
  func.func @transform_0(%arg0: i32) -> (i32, i32) {
    %c0_i32 = arith.constant 0 : i32
    %c0_i32_0 = arith.constant 0 : i32
    return %arg0, %c0_i32 : i32, i32
  }
  func.func @transform_1(%arg0: i32) -> (i32, i32) {
    %c0_i32 = arith.constant 0 : i32
    %c0_i32_0 = arith.constant 0 : i32
    return %arg0, %c0_i32 : i32, i32
  }
  func.func @transform_2(%arg0: i32) -> (i32, i32, i32) {
    %c0_i32 = arith.constant 0 : i32
    %c0_i32_0 = arith.constant 0 : i32
    %c0_i32_1 = arith.constant 0 : i32
    return %c0_i32, %arg0, %c0_i32_0 : i32, i32, i32
  }
  func.func @transform_3(%arg0: i32) -> (i32, i32) {
    %c0_i32 = arith.constant 0 : i32
    %c0_i32_0 = arith.constant 0 : i32
    %c0_i32_1 = arith.constant 0 : i32
    return %c0_i32, %c0_i32_0 : i32, i32
  }
  func.func @transform_4(%arg0: i32) -> (i32, i32) {
    %c0_i32 = arith.constant 0 : i32
    %c0_i32_0 = arith.constant 0 : i32
    return %arg0, %c0_i32 : i32, i32
  }
}

module attributes {stable_mosaic.version = 14 : i64} {
  func.func @_scale_body(%arg0: i32, %arg1: memref<2048x128xf32, #tpu.memory_space<vmem>>, %arg2: memref<128x128xf32, #tpu.memory_space<vmem>>, %arg3: memref<2x16x128xf32, #tpu.memory_space<vmem>>, %arg4: memref<2048x128xf32, #tpu.memory_space<vmem>>, %arg5: memref<16x128xf32, #tpu.memory_space<vmem>>) attributes {dimension_semantics = [#tpu.dimension_semantics<arbitrary>], iteration_bounds = array<i64: 5>, scalar_prefetch = 0 : i64, scratch_operands = 0 : i64, tpu.core_type = #tpu.core_type<tc>, window_params = [{transform_indices = @transform_0, window_bounds = array<i64: 2048, 128>}, {pipeline_mode = #tpu.pipeline_mode<synchronous>, transform_indices = @transform_1, window_bounds = array<i64: 128, 128>}, {transform_indices = @transform_2, window_bounds = array<i64: 2, 16, 128>}, {transform_indices = @transform_3, window_bounds = array<i64: 2048, 128>}, {transform_indices = @transform_4, window_bounds = array<i64: 16, 128>}]} {
    %get3A = arith.constant 0 : index
    %get3A_0 = arith.constant 0 : index
    %get3A_1 = vector.load %arg1[%get3A, %get3A_0] : memref<2048x128xf32, #tpu.memory_space<vmem>>, vector<2048x128xf32>
    %get3A_2 = arith.constant 0 : index
    %get3A_3 = arith.constant 0 : index
    %get3A_4 = vector.load %arg2[%get3A_2, %get3A_3] : memref<128x128xf32, #tpu.memory_space<vmem>>, vector<128x128xf32>
    %dot_general3A = arith.constant dense<0.000000e+00> : vector<2048x128xf32>
    %dot_general3A_5 = tpu.matmul %get3A_1, %get3A_4, %dot_general3A {dimension_numbers = #tpu.dot_dimension_numbers<[1], [0], [0], [1], [0, 0, 1, 1], [], []>, transpose_lhs_hint = false} : vector<2048x128xf32>, vector<128x128xf32>, vector<2048x128xf32> -> vector<2048x128xf32>
    %get3A_6 = arith.constant 0 : index
    %get3A_7 = arith.constant 0 : index
    %get3A_8 = arith.constant 0 : index
    %get3A_9 = vector.load %arg3[%get3A_6, %get3A_7, %get3A_8] : memref<2x16x128xf32, #tpu.memory_space<vmem>>, vector<1x16x128xf32>
    %get3A_10 = vector.shape_cast %get3A_9 : vector<1x16x128xf32> to vector<16x128xf32>
    %get3A_11 = arith.constant 1 : index
    %get3A_12 = arith.constant 0 : index
    %get3A_13 = arith.constant 0 : index
    %get3A_14 = vector.load %arg3[%get3A_11, %get3A_12, %get3A_13] : memref<2x16x128xf32, #tpu.memory_space<vmem>>, vector<1x16x128xf32>
    %get3A_15 = vector.shape_cast %get3A_14 : vector<1x16x128xf32> to vector<16x128xf32>
    %add3A = arith.addf %get3A_10, %get3A_15 : vector<16x128xf32>
    %add3A_16 = arith.constant 1.000000e+00 : f32
    %add3A_17 = vector.broadcast %add3A_16 : f32 to vector<16x128xf32>
    %add3A_18 = arith.addf %add3A, %add3A_17 : vector<16x128xf32>
    %rsqrt3A = math.rsqrt %add3A_18 : vector<16x128xf32>
    %swap3A = arith.constant 0 : index
    %swap3A_19 = arith.constant 0 : index
    %swap3A_20 = vector.load %arg5[%swap3A, %swap3A_19] : memref<16x128xf32, #tpu.memory_space<vmem>>, vector<16x128xf32>
    tpu.vector_store %arg5[%swap3A, %swap3A_19], %rsqrt3A {strides = array<i32>} : memref<16x128xf32, #tpu.memory_space<vmem>>, vector<16x128xf32>,
    %reshape3A = vector.shape_cast %dot_general3A_5 : vector<2048x128xf32> to vector<16x128x128xf32>
    %broadcast_in_dim3A = vector.shape_cast %rsqrt3A : vector<16x128xf32> to vector<16x128x1xf32>
    %mul3A = vector.broadcast %broadcast_in_dim3A : vector<16x128x1xf32> to vector<16x128x128xf32>
    %mul3A_21 = arith.mulf %reshape3A, %mul3A : vector<16x128x128xf32>
    %reshape3A_22 = vector.shape_cast %mul3A_21 : vector<16x128x128xf32> to vector<2048x128xf32>
    %swap3A_23 = arith.constant 0 : index
    %swap3A_24 = arith.constant 0 : index
    %swap3A_25 = vector.load %arg4[%swap3A_23, %swap3A_24] : memref<2048x128xf32, #tpu.memory_space<vmem>>, vector<2048x128xf32>
    tpu.vector_store %arg4[%swap3A_23, %swap3A_24], %reshape3A_22 {strides = array<i32>} : memref<2048x128xf32, #tpu.memory_space<vmem>>, vector<2048x128xf32>,
    return
  }
  func.func @transform_0(%arg0: i32) -> (i32, i32) {
    %c0_i32 = arith.constant 0 : i32
    %c0_i32_0 = arith.constant 0 : i32
    return %arg0, %c0_i32 : i32, i32
  }
  func.func @transform_1(%arg0: i32) -> (i32, i32) {
    %c0_i32 = arith.constant 0 : i32
    %c0_i32_0 = arith.constant 0 : i32
    %c0_i32_1 = arith.constant 0 : i32
    return %c0_i32, %c0_i32_0 : i32, i32
  }
  func.func @transform_2(%arg0: i32) -> (i32, i32, i32) {
    %c0_i32 = arith.constant 0 : i32
    %c0_i32_0 = arith.constant 0 : i32
    %c0_i32_1 = arith.constant 0 : i32
    return %c0_i32, %arg0, %c0_i32_0 : i32, i32, i32
  }
  func.func @transform_3(%arg0: i32) -> (i32, i32) {
    %c0_i32 = arith.constant 0 : i32
    %c0_i32_0 = arith.constant 0 : i32
    return %arg0, %c0_i32 : i32, i32
  }
  func.func @transform_4(%arg0: i32) -> (i32, i32) {
    %c0_i32 = arith.constant 0 : i32
    %c0_i32_0 = arith.constant 0 : i32
    return %arg0, %c0_i32 : i32, i32
  }
}

</mosaic_0001>

<sc_bundles>
// kernel: kernel.6.cloned.1.call-start
scs
__scs_entry_jumppad:
0x0: {  	(pc) =	sbr.rel $0x88, $3  }
0x1: {  	(tag) =	ssettag $0x0;
	lr =	simm.s32 $0x1  }
0x2: {  	[smem:$0x3F9D] =	sst lr;
	_ =	strace $0xD0000000  }
0x3: {  	_ = 	snop  }
0x4: {  	_ = 	snop  }
0x5: {  	_ = 	snop  }
0x6: {  	_ = 	snop  }
0x7: {  	_ = 	snop  }
__scs_overlays_trampoline_lowered:
0x8: {  	[smem:$0x3FAC] =	sst s0  }
0x9: {  	[smem:$0x3FAD] =	sst s1  }
0xa: {  	[smem:$0x3FAE] =	sst s2  }
0xb: {  	[smem:$0x3FAF] =	sst s3  }
0xc: {  	[smem:$0x3FB0] =	sst s4  }
0xd: {  	[smem:$0x3FB1] =	sst s5  }
0xe: {  	[smem:$0x3FB2] =	sst s6  }
0xf: {  	[smem:$0x3FB3] =	sst s7  }
0x10: {  	[smem:$0x3FB4] =	sst s8  }
0x11: {  	[smem:$0x3FB5] =	sst s9;
	s0 =	simm.s32 @!p0 $0x0  }
0x12: {  	s1 =	sld [smem:$0x3F9B];
	s0 =	simm.s32 @p0 $0x1  }
0x13: {  	[smem:$0x3FB6] =	sst s0;
	s0 =	simm.s32 @!p1 $0x0  }
0x14: {  	s2 =	sld [smem:$0x3F9A];
	s0 =	simm.s32 @p1 $0x1  }
0x15: {  	[smem:$0x3FB7] =	sst s0;
	s0 =	simm.s32 @!p2 $0x0  }
0x16: {  	s3 =	sld [smem:$0x3FDB];
	s0 =	simm.s32 @p2 $0x1  }
0x17: {  	s4 =	simm.s32 $0x1BF5;
	[smem:$0x3FB9] =	sst s0  }
0x18: {  	s0 =	sld [smem:$0x3F9C];
	_ =	swait.ge [sflag:s4], $0x0  }
0x19: {  	s7 =	sld [smem:$0x3F9D]  }
0x1a: {  	s8 =	sadd.s32 $0xFFFFE003, lr  }
0x1b: {  	s9 =	sadd.s32 $0xFFFFFEF7, lr;
	s5 =	simm.s32 $0xFFFFFFFF;
	p2 =	slt.u32 s8, $0xFFFFF086  }
0x1c: {  	p1 =	slt.u32 s9, $0xF7A;
	s5 =	simm.s32 @!p2 $0x0  }
0x1d: {  	s5 =	simm.s32 @p1 $0x1;
	p0 =	seq.s32 s7, s2  }
0x1e: {  	s7 =	smul.u32 @!p0 $0xF7A, s2;
	p2 =	seq.s32 @!p0 s5, $0x0  }
0x1f: {  	s9 =	smul.u32 $0xF7A, s1;
	s8 =	simm.s32 @!p0 $0x1BF5;
	p2 =	por !p2, p0  }
0x20: {  	[sflag:s8] =	ssyncset.s32 @!p0 $0xFFFFF086;
	s6 =	sadd.s32 @!p0 s3, s7;
	s7 =	simm.s32 @!p0 $0x108  }
0x21: {  	s3 =	sadd.s32 s3, s9;
	s6 =	sadd.s32 @!p0 $0x88, s6;
	s7 =	simm.s32 @p2 $0x1082  }
0x22: {  	[simem:s7], [sflag:s8] =	dma.local @!p0 [hbm:s6], $0xF7A  }
0x23: {  	s9 =	sor.u32 $0xD0000000, s2;
	s6 =	simm.s32 $0x108;
	_ =	swait.ge @!p0 [sflag:s8], $0x0  }
0x24: {  	s3 =	sadd.s32 $0x88, s3;
	s6 =	simm.s32 @!p1 $0x1082;
	[sflag:s4] =	ssyncset.s32 $0xFFFFF086  }
0x25: {  	[simem:s6], [sflag:s4] =	dma.local [hbm:s3], $0xF7A  }
0x26: {  	[smem:$0x3F9D] =	sst s1;
	(tag) =	ssettag s2;
	_ =	strace s9  }
0x27: {  	s1 =	sld [smem:$0x3FAD]  }
0x28: {  	s2 =	sld [smem:$0x3FAE]  }
0x29: {  	s4 =	sld [smem:$0x3FB0]  }
0x2a: {  	p0 =	seq.s32 s5, $0x0;
	s5 =	sld [smem:$0x3FB1]  }
0x2b: {  	s6 =	sld [smem:$0x3FB2]  }
0x2c: {  	s7 =	sld [smem:$0x3FB3]  }
0x2d: {  	s3 =	simm.s32 $0x108;
	s8 =	sld [smem:$0x3FB4]  }
0x2e: {  	s3 =	simm.s32 @!p0 $0x1082;
	s9 =	sld [smem:$0x3FB5]  }
0x2f: {  	lr =	sadd.s32 s0, s3;
	s0 =	sld [smem:$0x3FAC]  }
0x30: {  	s3 =	sld [smem:$0x3FAF]  }
0x31: {  	[smem:$0x3FB8] =	sst s10  }
0x32: {  	s10 =	sld [smem:$0x3FB6];
	_ =	sdelay $0x3  }
0x33: {  	p0 =	seq.s32 s10, $0x1;
	s10 =	sld [smem:$0x3FB8];
	_ =	sdelay $0x3  }
0x34: {  	[smem:$0x3FB8] =	sst s10  }
0x35: {  	s10 =	sld [smem:$0x3FB7];
	_ =	sdelay $0x3  }
0x36: {  	p1 =	seq.s32 s10, $0x1;
	s10 =	sld [smem:$0x3FB8];
	_ =	sdelay $0x3  }
0x37: {  	[smem:$0x3FB8] =	sst s10  }
0x38: {  	s10 =	sld [smem:$0x3FB9]  }
0x39: {  	_ = 	snop;
	(pc) =	sbr.ind lr, $3  }
0x3a: {  	_ = 	snop  }
0x3b: {  	_ = 	snop  }
0x3c: {  	p2 =	seq.s32 s10, $0x1;
	s10 =	sld [smem:$0x3FB8]  }
0x3d: {  	_ =	shalt  }
0x3e: {  	_ =	shalt  }
0x3f: {  	_ =	shalt  }
0x40: {  	_ =	shalt  }
0x41: {  	_ =	shalt  }
0x42: {  	_ =	shalt  }
0x43: {  	_ =	shalt  }
0x44: {  	_ =	shalt  }
0x45: {  	_ =	shalt  }
0x46: {  	_ =	shalt  }
0x47: {  	_ =	shalt  }
0x48: {  	_ =	shalt  }
0x49: {  	_ =	shalt  }
0x4a: {  	_ =	shalt  }
0x4b: {  	_ =	shalt  }
0x4c: {  	_ =	shalt  }
0x4d: {  	_ =	shalt  }
0x4e: {  	_ =	shalt  }
0x4f: {  	_ =	shalt  }
0x50: {  	_ =	shalt  }
0x51: {  	_ =	shalt  }
0x52: {  	_ =	shalt  }
0x53: {  	_ =	shalt  }
0x54: {  	_ =	shalt  }
0x55: {  	_ =	shalt  }
0x56: {  	_ =	shalt  }
0x57: {  	_ =	shalt  }
0x58: {  	_ =	shalt  }
0x59: {  	_ =	shalt  }
0x5a: {  	_ =	shalt  }
0x5b: {  	_ =	shalt  }
0x5c: {  	_ =	shalt  }
0x5d: {  	_ =	shalt  }
0x5e: {  	_ =	shalt  }
0x5f: {  	_ =	shalt  }
0x60: {  	_ =	shalt  }
0x61: {  	_ =	shalt  }
0x62: {  	_ =	shalt  }
0x63: {  	_ =	shalt  }
0x64: {  	_ =	shalt  }
0x65: {  	_ =	shalt  }
0x66: {  	_ =	shalt  }
0x67: {  	_ =	shalt  }
0x68: {  	_ =	shalt  }
0x69: {  	_ =	shalt  }
0x6a: {  	_ =	shalt  }
0x6b: {  	_ =	shalt  }
0x6c: {  	_ =	shalt  }
0x6d: {  	_ =	shalt  }
0x6e: {  	_ =	shalt  }
0x6f: {  	_ =	shalt  }
0x70: {  	_ =	shalt  }
0x71: {  	_ =	shalt  }
0x72: {  	_ =	shalt  }
0x73: {  	_ =	shalt  }
0x74: {  	_ =	shalt  }
0x75: {  	_ =	shalt  }
0x76: {  	_ =	shalt  }
0x77: {  	_ =	shalt  }
0x78: {  	_ =	shalt  }
0x79: {  	_ =	shalt  }
0x7a: {  	_ =	shalt  }
0x7b: {  	_ =	shalt  }
0x7c: {  	_ =	shalt  }
0x7d: {  	_ =	shalt  }
0x7e: {  	_ =	shalt  }
0x7f: {  	_ =	shalt  }
0x80: {  	_ =	shalt  }
0x81: {  	_ =	shalt  }
0x82: {  	_ =	shalt  }
0x83: {  	_ =	shalt  }
0x84: {  	_ =	shalt  }
0x85: {  	_ =	shalt  }
0x86: {  	_ =	shalt  }
0x87: {  	_ =	shalt  }
.Lfunc_end0:
.L_simem_size_0:
called_computation_lowered:
.L_overlay_start_0:
0x88: {  	s2 =	sld [smem:$0x3FD9]  }
0x89: {  	s3 =	sld [smem:$0x3FFE];
	_ =	sdelay $0x1  }
0x8a: {  	s1 =	srdreg.scid  }
0x8b: {  	s0 =	sand.u32 $0x1, s1  }
0x8c: {  	s18 =	sshll.u32 s0, $0xA;
	s2 =	sadd.s32 s3, s2  }
0x8d: {  	s2 =	sadd.s32 s2, s18  }
0x8e: {  	[smem:$0x3FC4] =	sst s2  }
0x8f: {  	_ = 	snop  }
0x90: {  	s2 =	sld [smem:$0x3FC8]  }
0x91: {  	s19 =	sld [smem:$0x3FD0];
	(tm) =	ssettm $0x1  }
0x92: {  	s4 =	sld [smem:$0x3FFB];
	_ =	sdelay $0x3  }
0x93: {  	_ =	strace s4  }
0x94: {  	s4 =	sld [smem:$0x3FFC];
	_ =	sdelay $0x3  }
0x95: {  	_ =	strace s4  }
0x96: {  	s4 =	sld [smem:$0x3FFD];
	_ =	sdelay $0x3  }
0x97: {  	_ =	strace s4  }
0x98: {  	_ =	strace $0x8FFFFFFF  }
0x99: {  	s20 =	sld [smem:$0x3FDB];
	_ =	sdelay $0x1  }
0x9a: {  	s5 =	simm.s32 $_scs_section_size  }
0x9b: {  	s6 =	simm.s32 $_size__tile_overlayer_lowered;
	s7 =	simm.s32 $_tile_overlayer_lowered  }
0x9c: {  	s23 =	simm.s32 $0x1BFF;
	s22 =	sshll.u32 s7, $0x1;
	s4 =	sadd.s32 s5, s20  }
0x9d: {  	s8 =	simm.s32 $0x0;
	s21 =	sshll.u32 s6, $0x1;
	s6 =	sadd.s32 s22, s4  }
0x9e: {  	[timem:s8], [sflag:s23] =	dma.local [hbm:s6], s21  }
0x9f: {  	_ =	swait.ge [sflag:s23], s21  }
0xa0: {  	s5 =	ssub.s32 $0x0, s21;
	[sflag:s23] =	ssyncset.done $0x0  }
0xa1: {  	[sflag:s23] =	ssyncadd.s32 s5;
	_ =	sdelay $0x1  }
0xa2: {  	s24 =	simm.s32 $0x1B8B  }
0xa3: {  	_ =	swait.ge [sflag:s24], $0x1  }
0xa4: {  	[sflag:s24] =	ssyncset.done $0x0  }
0xa5: {  	s25 =	simm.s32 $0x1B8E;
	[sflag:s24] =	ssyncadd.s32 $0xFFFFFFFF  }
0xa6: {  	s26 =	simm.s32 $execute0_lowered;
	[smem:$0x3FD2] =	sst s25  }
0xa7: {  	s5 =	sshll.u32 s26, $0x1;
	_ =	strace $0x80000046;
	[dreg:$0x1] =	wrdreg $0xFFFFFFFF  }
0xa8: {  	s28 =	simm.s32 $_size_execute0_lowered;
	s4 =	sadd.s32 s4, s5;
	[dreg:$0x0] =	wrdreg $0x0  }
0xa9: {  	s5 =	sshll.u32 s28, $0x1;
	[dreg:$0x2] =	wrdreg s4  }
0xaa: {  	[dreg:$0x3] =	wrdreg s5  }
0xab: {  	[dreg:$0x4] =	wrdreg $0xC0  }
0xac: {  	_ =	task [dreg:s8], $0x5FFFF  }
0xad: {  	[dreg:$0x1] =	wrdreg $0xFFFFFFFF  }
0xae: {  	[dreg:$0x0] =	wrdreg $0x60  }
0xaf: {  	[dreg:$0x2] =	wrdreg s2  }
0xb0: {  	[dreg:$0x3] =	wrdreg s19  }
0xb1: {  	[dreg:$0x4] =	wrdreg $0x68000  }
0xb2: {  	[dreg:$0x5] =	wrdreg $0x9  }
0xb3: {  	_ =	task.clear_ibuf [dreg:s8], $0x6FFFF;
	_ =	strace $0x90000046  }
0xb4: {  	s29 =	simm.s32 $0x9;
	_ =	strace $0x80000048  }
0xb5: {  	_ =	swait.ge [sflag:s29], $0x1  }
0xb6: {  	[sflag:s29] =	ssyncadd.s32 $0xFFFFFFFF  }
0xb7: {  	_ =	strace $0x90000048  }
0xb8: {  	_ =	sfence  }
0xb9: {  	s30 =	sld [smem:$0x0];
	_ =	sdelay $0x2  }
0xba: {  	s31 =	sshll.u32 s1, $0xD;
	s1 =	sshrl.u32 s1, $0x2  }
0xbb: {  	s3 =	sand.u32 $0x4000, s31;
	s1 =	sadd.s32 s1, s30  }
0xbc: {  	s0 =	sor.u32 s3, s0;
	s1 =	sshll.u32 s1, $0x11  }
0xbd: {  	s0 =	sor.u32 s1, s0  }
0xbe: {  	s0 =	sadd.s32 $0x8F2B, s0  }
0xbf: {  	[sflag:s0] =	ssyncadd.remote.s32 $0x1  }
0xc0: {  	_ =	sfence.sel $0xFFFF  }
0xc1: {  	[dreg:$0x0] =	wrdreg $0xFFFFFFFF;
	(pc) =	sbr.abs _section_cstart, $3  }
0xc2: {  	[dreg:$0x1] =	wrdreg $0xFFFFFFFF  }
0xc3: {  	_ =	task.clear_ibuf [dreg:s8], $0x2FFFF;
	_ =	strace $0x9FFFFFFF  }
0xc4: {  	(tm) =	ssettm $0x7FFFFFFF  }
0xc5: {  	_ =	shalt  }
tec
execute0_lowered:
.L_overlay_start_1:
0x0: {  	(tag) =	ssettag $0x1  }
0x1: {  	s4 =	rddreg [dreg:$0x0]  }
0x2: {  	s5 =	rddreg [dreg:$0x1];
	s0 =	srdreg.scid  }
0x3: {  	s12 =	stileid.u32;
	s1 =	rddreg [dreg:$0x2];
	s2 =	simm.s32 $0x0  }
0x4: {  	s10 =	simm.s32 $0x2780;
	s11 =	simm.s32 $0x6780;
	s14 =	simm.s32 $0x0  }
0x5: {  	s6 =	sand.u32 $0x1, s0;
	s3 =	sshll.u32 s12, $0x1;
	s0 =	rddreg [dreg:$0x3]  }
0x6: {  	[smem:$0x7FF] =	sst s2;
	s30 =	sshll.u32 s12, $0x7;
	s31 =	sshll.u32 s12, $0xA  }
0x7: {  	p1 =	sgt.u32 s12, $0x1;
	p0 =	sne.s32 s12, $0x0;
	s12 =	sshll.u32 s12, $0x6  }
0x8: {  	s3 =	sor.u32 s6, s3;
	s7 =	ssub.s32 $0x2, s6;
	_ =	strace $0x80000047  }
0x9: {  	s6 =	sshll.u32 s6, $0xB;
	s5 =	sadd.s32 s5, s30;
	s13 =	sadd.s32 s31, s1  }
0xa: {  	s12 =	sor.u32 $0x1C01, s12;
	s8 =	smul.u32 $0x9C0, s3;
	s9 =	sshrl.u32 s7, $0x1  }
0xb: {  	v0 =	vlaneseq.u32;
	s29 =	sshll.u32 s3, $0x5;
	s5 =	sadd.s32 s6, s5;
	s13 =	sshrl.u32 s13, $0x3  }
0xc: {  	v1 =	vimm.f32 $0.0e+00;
	v9 =	vimm.f32 $1.000000000e+00;
	v2 =	vor.u32 $0x10, v0;
	s7 =	ssub.s32 s7, s9;
	s9 =	simm.s32 $0x1;
	s8 =	sadd.s32 s8, s4  }
0xd: {  	v3 =	vor.u32 $0x20, v0;
	v4 =	vor.u32 $0x30, v0;
	v5 =	vor.u32 $0x40, v0;
	s4 =	sadd.s32 s29, s4;
	s6 =	smax.u32 s7, $0x1;
	s7 =	simm.s32 $0x80  }
0xe: {  	v6 =	vor.u32 $0x50, v0;
	v7 =	vor.u32 $0x60, v0;
	v8 =	vor.u32 $0x70, v0;
	s3 =	sadd.s32 $0x10, s8;
	s4 =	sadd.s32 $0x13810, s4;
	s8 =	simm.s32 $0x100  }
.LBB2_1:
0xf: {  	[tilespmem:s2], [sflag:$0x1] =	stream.strided.gather [hbm4b:s3+s7], $0x2700, s8, s7, $0x38;
	[tilespmem:$0x6C00] =	vst v63  }
0x10: {  	_ =	swait.ge [sflag:s9], $0x2700  }
0x11: {  	[sflag:s9] =	ssyncset.done $0x0  }
0x12: {  	s15 =	simm.s32 @!p1 $0x0;
	s16 =	simm.s32 @!p1 $0x2700;
	[sflag:s9] =	ssyncadd.s32 $0xFFFFD900  }
0x13: {  	[tilespmem:s16], [sflag:$0x1] =	stream.linear.gather @!p1 [hbm4b:s4+s15], $0x80, $0x38;
	[tilespmem:$0x6C00] =	vst v63  }
0x14: {  	s15 =	simm.s32 @!p1 $0x1  }
0x15: {  	_ =	swait.ge @!p1 [sflag:s15], $0x80  }
0x16: {  	[sflag:s15] =	ssyncset.done @!p1 $0x0  }
0x17: {  	s16 =	simm.s32 $0x200;
	[sflag:s15] =	ssyncadd.s32 @!p1 $0xFFFFFF80;
	s15 =	simm.s32 $0x0  }
.LBB2_2:
0x18: {  	p2 =	sne.s32 s16, $0xFE00;
	[tilespmem:s15+$0x27F0] =	vst v1  }
0x19: {  	[tilespmem:s15+$0x2780] =	vst v1  }
0x1a: {  	[tilespmem:s15+$0x2790] =	vst v1  }
.Ltmp0:
0x1b: {  	[tilespmem:s15+$0x27A0] =	vst v1;
	(pc) =	sbr.rel @p2 .LBB2_2-.Ltmp0, $4  }
0x1c: {  	[tilespmem:s15+$0x27B0] =	vst v1  }
0x1d: {  	[tilespmem:s15+$0x27C0] =	vst v1  }
0x1e: {  	[tilespmem:s15+$0x27D0] =	vst v1  }
0x1f: {  	[tilespmem:s15+$0x27E0] =	vst v1;
	s15 =	sshra.s32 s16, $0x2;
	s16 =	sadd.s32 $0x200, s16  }
0x20: {  	[tilespmem:s15+$0x27F0] =	vst v1  }
0x21: {  	[tilespmem:s15+$0x2780] =	vst v1  }
0x22: {  	[tilespmem:s15+$0x2790] =	vst v1  }
0x23: {  	[tilespmem:s15+$0x27A0] =	vst v1  }
0x24: {  	[tilespmem:s15+$0x27B0] =	vst v1  }
0x25: {  	[tilespmem:s15+$0x27C0] =	vst v1  }
0x26: {  	[tilespmem:s15+$0x27D0] =	vst v1  }
0x27: {  	[tilespmem:s15+$0x27E0] =	vst v1  }
0x28: {  	[tilespmem:$0x6780] =	vst v0  }
0x29: {  	[tilespmem:$0x6790] =	vst v2  }
0x2a: {  	[tilespmem:$0x67A0] =	vst v3  }
0x2b: {  	[tilespmem:$0x67B0] =	vst v4  }
0x2c: {  	[tilespmem:$0x67C0] =	vst v5  }
0x2d: {  	[tilespmem:$0x67D0] =	vst v6  }
0x2e: {  	[tilespmem:$0x67E0] =	vst v7  }
0x2f: {  	s15 =	simm.s32 @!p0 $0x2780;
	[tilespmem:$0x67F0] =	vst v8  }
0x30: {  	[spmem:s1] =	stream.linear.scatter @!p0 [tilespmem:s15], [sflag:$0x1], $0x4000, $0x38;
	[tilespmem:$0x6C00] =	vst v63  }
0x31: {  	s15 =	simm.s32 @!p0 $0x1  }
0x32: {  	_ =	swait.ge @!p0 [sflag:s15], $0x4000  }
0x33: {  	[sflag:s15] =	ssyncset.done @!p0 $0x0  }
0x34: {  	[sflag:s15] =	ssyncadd.s32 @!p0 $0xFFFFC000  }
0x35: {  	s15 =	simm.s32 $0x0;
	[bflag:$0x0] =	sbarrier.arrive $0xFFFF  }
.LBB2_4:
0x36: {  	s16 =	sshra.s32 s15, $0x2  }
0x37: {  	v10 =	vld [tilespmem:s16+$0x0];
	_ =	sdelay $0x7  }
0x38: {  	[tilespmem:v10+s10+$0x0] =	vst.idx.add.f32.msk $0xffff, v9  }
0x39: {  	v10 =	vld [tilespmem:s16+$0x10];
	_ =	sdelay $0x7  }
0x3a: {  	[tilespmem:v10+s10+$0x0] =	vst.idx.add.f32.msk $0xffff, v9  }
0x3b: {  	v10 =	vld [tilespmem:s16+$0x20];
	_ =	sdelay $0x7  }
0x3c: {  	[tilespmem:v10+s10+$0x0] =	vst.idx.add.f32.msk $0xffff, v9  }
0x3d: {  	v10 =	vld [tilespmem:s16+$0x30];
	_ =	sdelay $0x2  }
0x3e: {  	p2 =	sne.s32 s15, $0x9B00  }
.Ltmp1:
0x3f: {  	_ = 	snop;
	(pc) =	sbr.rel @p2 .LBB2_4-.Ltmp1, $2  }
0x40: {  	_ =	sdelay $0x2  }
0x41: {  	s15 =	sadd.s32 $0x100, s15;
	[tilespmem:v10+s10+$0x0] =	vst.idx.add.f32.msk $0xffff, v9  }
0x42: {  	v10 =	vld @!p1 [tilespmem:$0x2700];
	_ =	sdelay $0x6  }
0x43: {  	v11 =	vimm.f32 @!p1 $1.000000000e+00;
	s15 =	simm.s32 @!p1 $0x2780  }
0x44: {  	[tilespmem:v10+s15+$0x0] =	vst.idx.add.f32.msk @!p1 $0xffff, v11  }
0x45: {  	v10 =	vld @!p1 [tilespmem:$0x2710];
	_ =	sdelay $0x7  }
0x46: {  	[tilespmem:v10+s15+$0x0] =	vst.idx.add.f32.msk @!p1 $0xffff, v11  }
0x47: {  	v10 =	vld @!p1 [tilespmem:$0x2720];
	_ =	sdelay $0x7  }
0x48: {  	[tilespmem:v10+s15+$0x0] =	vst.idx.add.f32.msk @!p1 $0xffff, v11  }
0x49: {  	v10 =	vld @!p1 [tilespmem:$0x2730];
	_ =	sdelay $0x7  }
0x4a: {  	[tilespmem:v10+s15+$0x0] =	vst.idx.add.f32.msk @!p1 $0xffff, v11  }
0x4b: {  	v10 =	vld @!p1 [tilespmem:$0x2740];
	_ =	sdelay $0x7  }
0x4c: {  	[tilespmem:v10+s15+$0x0] =	vst.idx.add.f32.msk @!p1 $0xffff, v11  }
0x4d: {  	v10 =	vld @!p1 [tilespmem:$0x2750];
	_ =	sdelay $0x7  }
0x4e: {  	[tilespmem:v10+s15+$0x0] =	vst.idx.add.f32.msk @!p1 $0xffff, v11  }
0x4f: {  	v10 =	vld @!p1 [tilespmem:$0x2760];
	_ =	sdelay $0x7  }
0x50: {  	[tilespmem:v10+s15+$0x0] =	vst.idx.add.f32.msk @!p1 $0xffff, v11  }
0x51: {  	v10 =	vld @!p1 [tilespmem:$0x2770];
	_ =	sdelay $0x7  }
0x52: {  	[tilespmem:v10+s15+$0x0] =	vst.idx.add.f32.msk @!p1 $0xffff, v11  }
0x53: {  	[spmem:s1] =	stream.indirect.scatter.add.f32 [tilespmem:s10], [sflag:$0x1], $0x80, s11, s7, $0xb8;
	[tilespmem:$0x6C00] =	vst v63  }
0x54: {  	_ =	swait.ge [sflag:s9], $0x4000  }
0x55: {  	s14 =	sadd.s32 $0x1, s14;
	[sflag:s9] =	ssyncset.done $0x0  }
0x56: {  	p2 =	sne.s32 s14, s6;
	[sflag:s9] =	ssyncadd.s32 $0xFFFFC000  }
.Ltmp2:
0x57: {  	[bflag:$0x0] =	sbarrier.arrive $0xFFFF;
	(pc) =	sbr.rel @p2 .LBB2_1-.Ltmp2, $4  }
0x58: {  	[hbm:s5], [sflag:s12] =	dma.local [spmem:s13], $0x80  }
0x59: {  	_ =	swait.ge [sflag:s9], $0x80  }
0x5a: {  	[sflag:s9] =	ssyncset.done $0x0  }
0x5b: {  	[sflag:s9] =	ssyncadd.s32 $0xFFFFFF80  }
0x5c: {  	_ =	sfence.sel $0x180000  }
0x5d: {  	[bflag:$0x0] =	sbarrier.arrive $0xFFFF  }
0x5e: {  	_ =	strace $0x90000047  }
0x5f: {  	s0 =	sadd.s32 @!p0 $0x100000, s0;
	[bflag:$0x2] =	sbarrier.arrive $0xFFFF  }
0x60: {  	[sflag:s0] =	ssyncadd.tile.s32 @!p0 $0x1;
	_ =	shalt  }
.Lfunc_end2:
_tile_overlayer_lowered:
.L_overlay_start_2:
0x61: {  	(tag) =	ssettag $0x2  }
0x62: {  	s0 =	rddreg [dreg:$0x0];
	s2 =	stileid.u32  }
0x63: {  	s1 =	rddreg [dreg:$0x1];
	p0 =	sne.s32 s2, $0x0  }
0x64: {  	s3 =	rddreg [dreg:$0x2];
	[bflag:$0x3] =	sbarrier.arrive $0xFFFF;
	s2 =	simm.s32 @!p0 $0x1C01  }
0x65: {  	[timem:s3], [sflag:s2] =	dma.local @!p0 [hbm:s0], s1  }
0x66: {  	s0 =	simm.s32 @!p0 $0x1  }
0x67: {  	_ =	swait.ge @!p0 [sflag:s0], s1  }
0x68: {  	s1 =	ssub.s32 @!p0 $0x0, s1;
	[sflag:s0] =	ssyncset.done @!p0 $0x0  }
0x69: {  	[sflag:s0] =	ssyncadd.s32 @!p0 s1  }
0x6a: {  	[bflag:$0x3] =	sbarrier.arrive $0xFFFF  }
0x6b: {  	_ =	shalt  }

// kernel: kernel.9.cloned.1.call-start
scs
__scs_entry_jumppad:
0x0: {  	(pc) =	sbr.rel $0x88, $3  }
0x1: {  	(tag) =	ssettag $0x0;
	lr =	simm.s32 $0x1  }
0x2: {  	[smem:$0x3F9D] =	sst lr;
	_ =	strace $0xD0000000  }
0x3: {  	_ = 	snop  }
0x4: {  	_ = 	snop  }
0x5: {  	_ = 	snop  }
0x6: {  	_ = 	snop  }
0x7: {  	_ = 	snop  }
__scs_overlays_trampoline_lowered:
0x8: {  	[smem:$0x3FAC] =	sst s0  }
0x9: {  	[smem:$0x3FAD] =	sst s1  }
0xa: {  	[smem:$0x3FAE] =	sst s2  }
0xb: {  	[smem:$0x3FAF] =	sst s3  }
0xc: {  	[smem:$0x3FB0] =	sst s4  }
0xd: {  	[smem:$0x3FB1] =	sst s5  }
0xe: {  	[smem:$0x3FB2] =	sst s6  }
0xf: {  	[smem:$0x3FB3] =	sst s7  }
0x10: {  	[smem:$0x3FB4] =	sst s8  }
0x11: {  	[smem:$0x3FB5] =	sst s9;
	s0 =	simm.s32 @!p0 $0x0  }
0x12: {  	s1 =	sld [smem:$0x3F9B];
	s0 =	simm.s32 @p0 $0x1  }
0x13: {  	[smem:$0x3FB6] =	sst s0;
	s0 =	simm.s32 @!p1 $0x0  }
0x14: {  	s2 =	sld [smem:$0x3F9A];
	s0 =	simm.s32 @p1 $0x1  }
0x15: {  	[smem:$0x3FB7] =	sst s0;
	s0 =	simm.s32 @!p2 $0x0  }
0x16: {  	s3 =	sld [smem:$0x3FDB];
	s0 =	simm.s32 @p2 $0x1  }
0x17: {  	s4 =	simm.s32 $0x1BF5;
	[smem:$0x3FB9] =	sst s0  }
0x18: {  	s0 =	sld [smem:$0x3F9C];
	_ =	swait.ge [sflag:s4], $0x0  }
0x19: {  	s7 =	sld [smem:$0x3F9D]  }
0x1a: {  	s8 =	sadd.s32 $0xFFFFE003, lr  }
0x1b: {  	s9 =	sadd.s32 $0xFFFFFEF7, lr;
	s5 =	simm.s32 $0xFFFFFFFF;
	p2 =	slt.u32 s8, $0xFFFFF086  }
0x1c: {  	p1 =	slt.u32 s9, $0xF7A;
	s5 =	simm.s32 @!p2 $0x0  }
0x1d: {  	s5 =	simm.s32 @p1 $0x1;
	p0 =	seq.s32 s7, s2  }
0x1e: {  	s7 =	smul.u32 @!p0 $0xF7A, s2;
	p2 =	seq.s32 @!p0 s5, $0x0  }
0x1f: {  	s9 =	smul.u32 $0xF7A, s1;
	s8 =	simm.s32 @!p0 $0x1BF5;
	p2 =	por !p2, p0  }
0x20: {  	[sflag:s8] =	ssyncset.s32 @!p0 $0xFFFFF086;
	s6 =	sadd.s32 @!p0 s3, s7;
	s7 =	simm.s32 @!p0 $0x108  }
0x21: {  	s3 =	sadd.s32 s3, s9;
	s6 =	sadd.s32 @!p0 $0x88, s6;
	s7 =	simm.s32 @p2 $0x1082  }
0x22: {  	[simem:s7], [sflag:s8] =	dma.local @!p0 [hbm:s6], $0xF7A  }
0x23: {  	s9 =	sor.u32 $0xD0000000, s2;
	s6 =	simm.s32 $0x108;
	_ =	swait.ge @!p0 [sflag:s8], $0x0  }
0x24: {  	s3 =	sadd.s32 $0x88, s3;
	s6 =	simm.s32 @!p1 $0x1082;
	[sflag:s4] =	ssyncset.s32 $0xFFFFF086  }
0x25: {  	[simem:s6], [sflag:s4] =	dma.local [hbm:s3], $0xF7A  }
0x26: {  	[smem:$0x3F9D] =	sst s1;
	(tag) =	ssettag s2;
	_ =	strace s9  }
0x27: {  	s1 =	sld [smem:$0x3FAD]  }
0x28: {  	s2 =	sld [smem:$0x3FAE]  }
0x29: {  	s4 =	sld [smem:$0x3FB0]  }
0x2a: {  	p0 =	seq.s32 s5, $0x0;
	s5 =	sld [smem:$0x3FB1]  }
0x2b: {  	s6 =	sld [smem:$0x3FB2]  }
0x2c: {  	s7 =	sld [smem:$0x3FB3]  }
0x2d: {  	s3 =	simm.s32 $0x108;
	s8 =	sld [smem:$0x3FB4]  }
0x2e: {  	s3 =	simm.s32 @!p0 $0x1082;
	s9 =	sld [smem:$0x3FB5]  }
0x2f: {  	lr =	sadd.s32 s0, s3;
	s0 =	sld [smem:$0x3FAC]  }
0x30: {  	s3 =	sld [smem:$0x3FAF]  }
0x31: {  	[smem:$0x3FB8] =	sst s10  }
0x32: {  	s10 =	sld [smem:$0x3FB6];
	_ =	sdelay $0x3  }
0x33: {  	p0 =	seq.s32 s10, $0x1;
	s10 =	sld [smem:$0x3FB8];
	_ =	sdelay $0x3  }
0x34: {  	[smem:$0x3FB8] =	sst s10  }
0x35: {  	s10 =	sld [smem:$0x3FB7];
	_ =	sdelay $0x3  }
0x36: {  	p1 =	seq.s32 s10, $0x1;
	s10 =	sld [smem:$0x3FB8];
	_ =	sdelay $0x3  }
0x37: {  	[smem:$0x3FB8] =	sst s10  }
0x38: {  	s10 =	sld [smem:$0x3FB9]  }
0x39: {  	_ = 	snop;
	(pc) =	sbr.ind lr, $3  }
0x3a: {  	_ = 	snop  }
0x3b: {  	_ = 	snop  }
0x3c: {  	p2 =	seq.s32 s10, $0x1;
	s10 =	sld [smem:$0x3FB8]  }
0x3d: {  	_ =	shalt  }
0x3e: {  	_ =	shalt  }
0x3f: {  	_ =	shalt  }
0x40: {  	_ =	shalt  }
0x41: {  	_ =	shalt  }
0x42: {  	_ =	shalt  }
0x43: {  	_ =	shalt  }
0x44: {  	_ =	shalt  }
0x45: {  	_ =	shalt  }
0x46: {  	_ =	shalt  }
0x47: {  	_ =	shalt  }
0x48: {  	_ =	shalt  }
0x49: {  	_ =	shalt  }
0x4a: {  	_ =	shalt  }
0x4b: {  	_ =	shalt  }
0x4c: {  	_ =	shalt  }
0x4d: {  	_ =	shalt  }
0x4e: {  	_ =	shalt  }
0x4f: {  	_ =	shalt  }
0x50: {  	_ =	shalt  }
0x51: {  	_ =	shalt  }
0x52: {  	_ =	shalt  }
0x53: {  	_ =	shalt  }
0x54: {  	_ =	shalt  }
0x55: {  	_ =	shalt  }
0x56: {  	_ =	shalt  }
0x57: {  	_ =	shalt  }
0x58: {  	_ =	shalt  }
0x59: {  	_ =	shalt  }
0x5a: {  	_ =	shalt  }
0x5b: {  	_ =	shalt  }
0x5c: {  	_ =	shalt  }
0x5d: {  	_ =	shalt  }
0x5e: {  	_ =	shalt  }
0x5f: {  	_ =	shalt  }
0x60: {  	_ =	shalt  }
0x61: {  	_ =	shalt  }
0x62: {  	_ =	shalt  }
0x63: {  	_ =	shalt  }
0x64: {  	_ =	shalt  }
0x65: {  	_ =	shalt  }
0x66: {  	_ =	shalt  }
0x67: {  	_ =	shalt  }
0x68: {  	_ =	shalt  }
0x69: {  	_ =	shalt  }
0x6a: {  	_ =	shalt  }
0x6b: {  	_ =	shalt  }
0x6c: {  	_ =	shalt  }
0x6d: {  	_ =	shalt  }
0x6e: {  	_ =	shalt  }
0x6f: {  	_ =	shalt  }
0x70: {  	_ =	shalt  }
0x71: {  	_ =	shalt  }
0x72: {  	_ =	shalt  }
0x73: {  	_ =	shalt  }
0x74: {  	_ =	shalt  }
0x75: {  	_ =	shalt  }
0x76: {  	_ =	shalt  }
0x77: {  	_ =	shalt  }
0x78: {  	_ =	shalt  }
0x79: {  	_ =	shalt  }
0x7a: {  	_ =	shalt  }
0x7b: {  	_ =	shalt  }
0x7c: {  	_ =	shalt  }
0x7d: {  	_ =	shalt  }
0x7e: {  	_ =	shalt  }
0x7f: {  	_ =	shalt  }
0x80: {  	_ =	shalt  }
0x81: {  	_ =	shalt  }
0x82: {  	_ =	shalt  }
0x83: {  	_ =	shalt  }
0x84: {  	_ =	shalt  }
0x85: {  	_ =	shalt  }
0x86: {  	_ =	shalt  }
0x87: {  	_ =	shalt  }
.Lfunc_end0:
.L_simem_size_0:
called_computation.1_lowered:
.L_overlay_start_0:
0x88: {  	s2 =	sld [smem:$0x3FD9]  }
0x89: {  	s3 =	sld [smem:$0x3FFE];
	_ =	sdelay $0x1  }
0x8a: {  	s1 =	srdreg.scid  }
0x8b: {  	s0 =	sand.u32 $0x1, s1  }
0x8c: {  	s17 =	sshll.u32 s0, $0xA;
	s2 =	sadd.s32 s3, s2  }
0x8d: {  	s2 =	sadd.s32 s2, s17  }
0x8e: {  	[smem:$0x3FC4] =	sst s2  }
0x8f: {  	_ = 	snop  }
0x90: {  	s2 =	sld [smem:$0x3FC8]  }
0x91: {  	s18 =	sld [smem:$0x3FD0];
	(tm) =	ssettm $0x1  }
0x92: {  	s4 =	sld [smem:$0x3FFB];
	_ =	sdelay $0x3  }
0x93: {  	_ =	strace s4  }
0x94: {  	s4 =	sld [smem:$0x3FFC];
	_ =	sdelay $0x3  }
0x95: {  	_ =	strace s4  }
0x96: {  	s4 =	sld [smem:$0x3FFD];
	_ =	sdelay $0x3  }
0x97: {  	_ =	strace s4  }
0x98: {  	_ =	strace $0x8FFFFFFF  }
0x99: {  	s19 =	sld [smem:$0x3FDB];
	_ =	sdelay $0x1  }
0x9a: {  	s5 =	simm.s32 $_scs_section_size  }
0x9b: {  	s6 =	simm.s32 $_size__tile_overlayer_lowered;
	s7 =	simm.s32 $_tile_overlayer_lowered  }
0x9c: {  	s22 =	simm.s32 $0x1BFF;
	s21 =	sshll.u32 s7, $0x1;
	s4 =	sadd.s32 s5, s19  }
0x9d: {  	s8 =	simm.s32 $0x0;
	s20 =	sshll.u32 s6, $0x1;
	s6 =	sadd.s32 s21, s4  }
0x9e: {  	[timem:s8], [sflag:s22] =	dma.local [hbm:s6], s20  }
0x9f: {  	_ =	swait.ge [sflag:s22], s20  }
0xa0: {  	s5 =	ssub.s32 $0x0, s20;
	[sflag:s22] =	ssyncset.done $0x0  }
0xa1: {  	[sflag:s22] =	ssyncadd.s32 s5;
	_ =	sdelay $0x1  }
0xa2: {  	s23 =	simm.s32 $0x1B8B  }
0xa3: {  	_ =	swait.ge [sflag:s23], $0x1  }
0xa4: {  	[sflag:s23] =	ssyncset.done $0x0  }
0xa5: {  	s25 =	simm.s32 $0x1B8E;
	s24 =	sld [smem:$0x3FFE];
	[sflag:s23] =	ssyncadd.s32 $0xFFFFFFFF  }
0xa6: {  	s26 =	simm.s32 $execute0_lowered;
	[smem:$0x3FD2] =	sst s25  }
0xa7: {  	s6 =	sshll.u32 s26, $0x1;
	_ =	strace $0x80000049;
	[dreg:$0x1] =	wrdreg $0xFFFFFFFF  }
0xa8: {  	s28 =	simm.s32 $_size_execute0_lowered;
	s4 =	sadd.s32 s4, s6;
	[dreg:$0x0] =	wrdreg $0x0  }
0xa9: {  	s6 =	sshll.u32 s28, $0x1;
	[dreg:$0x2] =	wrdreg s4  }
0xaa: {  	[dreg:$0x3] =	wrdreg s6  }
0xab: {  	[dreg:$0x4] =	wrdreg $0xC0  }
0xac: {  	_ =	task [dreg:s8], $0x5FFFF  }
0xad: {  	[dreg:$0x1] =	wrdreg $0xFFFFFFFF  }
0xae: {  	[dreg:$0x0] =	wrdreg $0x60  }
0xaf: {  	[dreg:$0x2] =	wrdreg s2  }
0xb0: {  	[dreg:$0x3] =	wrdreg s18  }
0xb1: {  	[dreg:$0x4] =	wrdreg s24  }
0xb2: {  	[dreg:$0x5] =	wrdreg $0x83000  }
0xb3: {  	[dreg:$0x6] =	wrdreg $0x9  }
0xb4: {  	_ =	task.clear_ibuf [dreg:s8], $0x7FFFF;
	_ =	strace $0x90000049  }
0xb5: {  	s29 =	simm.s32 $0x9;
	_ =	strace $0x8000004B  }
0xb6: {  	_ =	swait.ge [sflag:s29], $0x1  }
0xb7: {  	[sflag:s29] =	ssyncadd.s32 $0xFFFFFFFF  }
0xb8: {  	_ =	strace $0x9000004B  }
0xb9: {  	_ =	sfence  }
0xba: {  	s30 =	sld [smem:$0x0];
	_ =	sdelay $0x2  }
0xbb: {  	s31 =	sshll.u32 s1, $0xD;
	s1 =	sshrl.u32 s1, $0x2  }
0xbc: {  	s3 =	sand.u32 $0x4000, s31;
	s1 =	sadd.s32 s1, s30  }
0xbd: {  	s0 =	sor.u32 s3, s0;
	s1 =	sshll.u32 s1, $0x11  }
0xbe: {  	s0 =	sor.u32 s1, s0  }
0xbf: {  	s0 =	sadd.s32 $0x8F2B, s0  }
0xc0: {  	[sflag:s0] =	ssyncadd.remote.s32 $0x1  }
0xc1: {  	_ =	sfence.sel $0xFFFF  }
0xc2: {  	[dreg:$0x0] =	wrdreg $0xFFFFFFFF;
	(pc) =	sbr.abs _section_cstart, $3  }
0xc3: {  	[dreg:$0x1] =	wrdreg $0xFFFFFFFF  }
0xc4: {  	_ =	task.clear_ibuf [dreg:s8], $0x2FFFF;
	_ =	strace $0x9FFFFFFF  }
0xc5: {  	(tm) =	ssettm $0x7FFFFFFF  }
tec
execute0_lowered:
.L_overlay_start_1:
0x0: {  	(tag) =	ssettag $0x1  }
0x1: {  	s12 =	rddreg [dreg:$0x0]  }
0x2: {  	s0 =	rddreg [dreg:$0x1]  }
0x3: {  	s6 =	rddreg [dreg:$0x2]  }
0x4: {  	s1 =	srdreg.scid;
	s3 =	rddreg [dreg:$0x3]  }
0x5: {  	s2 =	stileid.u32;
	s4 =	simm.s32 $0x0;
	s18 =	simm.s32 $0x3  }
0x6: {  	s19 =	simm.s32 $0x80;
	s20 =	simm.s32 $0x300;
	s21 =	simm.s32 $0x4  }
0x7: {  	s28 =	simm.s32 $0x280;
	s29 =	simm.s32 $0x0;
	s7 =	smul.u32 $0x14000, s2  }
0x8: {  	s10 =	sand.u32 $0x1, s1;
	[smem:$0x7FF] =	sst s4;
	s22 =	smul.u32 $0x50000, s2  }
0x9: {  	s8 =	sshll.u32 s2, $0x1;
	s30 =	sshll.u32 s2, $0x6;
	s16 =	smul.u32 $0x1380, s2  }
0xa: {  	p0 =	sgt.u32 s2, $0x1;
	s5 =	smul.u32 $0x140000, s10;
	_ =	strace $0x8000004A  }
0xb: {  	s9 =	ssub.s32 $0x2, s10;
	s11 =	sor.u32 s10, s8;
	s17 =	smul.u32 $0x9C0, s10  }
0xc: {  	s23 =	sshrl.u32 s9, $0x1;
	s24 =	smul.u32 $0x9C0, s11;
	s25 =	sshrl.u32 s22, $0x2  }
0xd: {  	s26 =	smul.u32 $0x4E00, s11;
	s11 =	sshll.u32 s11, $0x5;
	s31 =	sadd.s32 s16, s12  }
0xe: {  	s16 =	simm.s32 $0x100;
	s22 =	simm.s32 $0x4300;
	s7 =	sadd.s32 s7, s5  }
0xf: {  	s5 =	sadd.s32 $0x1800, s6;
	s14 =	ssub.s32 s9, s23;
	s15 =	sadd.s32 s25, s3  }
0x10: {  	s11 =	sadd.s32 s11, s12;
	s23 =	simm.s32 $0x1;
	s25 =	simm.s32 $0x2  }
0x11: {  	s7 =	sshrl.u32 s7, $0x3;
	s9 =	sshrl.u32 s26, $0x3;
	s10 =	sadd.s32 $0x13800, s11  }
.Ltmp0:
0x12: {  	s26 =	simm.s32 $0x180;
	s13 =	sadd.s32 s7, s6;
	(pc) =	sbr.rel .LBB2_1-.Ltmp0, $4  }
0x13: {  	s6 =	sadd.s32 s12, s24;
	s7 =	sor.u32 $0x1C06, s30;
	s9 =	sadd.s32 s12, s9  }
0x14: {  	s12 =	smax.u32 s14, $0x1;
	s14 =	sshrl.u32 s15, $0x3;
	s15 =	simm.s32 $0x6  }
0x15: {  	s24 =	simm.s32 $0x5;
	s8 =	sadd.s32 $0x20, s6;
	s9 =	sadd.s32 $0x40, s9  }
0x16: {  	s11 =	sadd.s32 $0x4000, s13;
	s13 =	sadd.s32 s17, s31;
	s17 =	simm.s32 $0x200  }
.LBB2_4:
0x17: {  	_ =	swait.ge [sflag:s25], $0x4000  }
0x18: {  	[sflag:s25] =	ssyncset.done $0x0  }
0x19: {  	[sflag:s25] =	ssyncadd.s32 $0xFFFFC000  }
0x1a: {  	[spmem:s3] =	stream.indirect.scatter.add.f32 [tilespmem:s22], [sflag:$0x6], $0x80, s28, s19, $0xb8;
	[tilespmem:$0x1C300] =	vst v63  }
0x1b: {  	_ =	swait.ge [sflag:s15], $0x4000  }
0x1c: {  	[sflag:s15] =	ssyncset.done $0x0  }
0x1d: {  	s1 =	simm.s32 @!p0 $0x0;
	s2 =	simm.s32 @!p0 $0x6;
	[sflag:s15] =	ssyncadd.s32 $0xFFFFC000  }
0x1e: {  	[tilespmem:s1], [sflag:$0x6] =	stream.linear.gather @!p0 [hbm4b:s10+s1], $0x100, $0x38;
	[tilespmem:$0x1C300] =	vst v63  }
0x1f: {  	_ =	swait.ge @!p0 [sflag:s2], $0x100  }
0x20: {  	[sflag:s2] =	ssyncset.done @!p0 $0x0  }
0x21: {  	s30 =	simm.s32 @!p0 $0x80;
	s31 =	simm.s32 @!p0 $0x300;
	[sflag:s2] =	ssyncadd.s32 @!p0 $0xFFFFFF00  }
0x22: {  	[tilespmem:s31], [sflag:$0x1] =	stream.indirect.gather @!p0 [hbm4b:s0+s30], $0x80, s1, s30, $0xb8;
	[tilespmem:$0x1C300] =	vst v63  }
0x23: {  	s1 =	simm.s32 @!p0 $0x1  }
0x24: {  	_ =	swait.ge @!p0 [sflag:s1], $0x4000  }
0x25: {  	[sflag:s1] =	ssyncset.done @!p0 $0x0  }
0x26: {  	[sflag:s1] =	ssyncadd.s32 @!p0 $0xFFFFC000  }
0x27: {  	[spmem:s3] =	stream.indirect.scatter.add.f32 @!p0 [tilespmem:s31], [sflag:$0x6], $0x80, s30, s30, $0xb8;
	[tilespmem:$0x1C300] =	vst v63  }
0x28: {  	_ =	swait.ge @!p0 [sflag:s2], $0x4000  }
0x29: {  	s29 =	sadd.s32 $0x1, s29;
	[sflag:s2] =	ssyncset.done @!p0 $0x0  }
0x2a: {  	p1 =	sne.s32 s29, s12;
	[sflag:s2] =	ssyncadd.s32 @!p0 $0xFFFFC000  }
.Ltmp1:
0x2b: {  	[bflag:$0x0] =	sbarrier.arrive $0xFFFF;
	(pc) =	sbr.rel @!p1 .LBB2_5-.Ltmp1, $4  }
0x2c: {  	[hbm:s11], [sflag:s7] =	dma.local [spmem:s14], $0x2800  }
0x2d: {  	_ =	swait.ge [sflag:s15], $0x2800  }
0x2e: {  	[sflag:s15] =	ssyncset.done $0x0  }
0x2f: {  	[sflag:s15] =	ssyncadd.s32 $0xFFFFD800  }
.LBB2_1:
0x30: {  	[spmem:s14], [sflag:s7] =	dma.local [hbm:s5], $0x2800  }
0x31: {  	_ =	swait.ge [sflag:s15], $0x2800  }
0x32: {  	[sflag:s15] =	ssyncset.done $0x0  }
0x33: {  	[sflag:s15] =	ssyncadd.s32 $0xFFFFD800  }
0x34: {  	[bflag:$0x0] =	sbarrier.arrive $0xFFFF  }
0x35: {  	[tilespmem:s4], [sflag:$0x3] =	stream.linear.gather [hbm4b:s6+s4], $0x100, $0x38;
	[tilespmem:$0x1C300] =	vst v63  }
0x36: {  	_ = 	snop  }
0x37: {  	[tilespmem:s16], [sflag:$0x4] =	stream.linear.gather [hbm4b:s8+s4], $0x100, $0x38;
	[tilespmem:$0x1C300] =	vst v63  }
0x38: {  	_ = 	snop  }
0x39: {  	[tilespmem:s17], [sflag:$0x5] =	stream.linear.gather [hbm4b:s9+s4], $0x100, $0x38;
	[tilespmem:$0x1C300] =	vst v63  }
0x3a: {  	_ =	swait.ge [sflag:s18], $0x100  }
0x3b: {  	[sflag:s18] =	ssyncset.done $0x0  }
0x3c: {  	[sflag:s18] =	ssyncadd.s32 $0xFFFFFF00  }
0x3d: {  	[tilespmem:s20], [sflag:$0x1] =	stream.indirect.gather [hbm4b:s0+s19], $0x80, s4, s19, $0xb8;
	[tilespmem:$0x1C300] =	vst v63  }
0x3e: {  	_ =	swait.ge [sflag:s21], $0x100  }
0x3f: {  	[sflag:s21] =	ssyncset.done $0x0  }
0x40: {  	s30 =	simm.s32 $0x0;
	[sflag:s21] =	ssyncadd.s32 $0xFFFFFF00  }
0x41: {  	[tilespmem:s22], [sflag:$0x2] =	stream.indirect.gather [hbm4b:s0+s19], $0x80, s16, s19, $0xb8;
	[tilespmem:$0x1C300] =	vst v63  }
.LBB2_2:
0x42: {  	_ =	swait.ge [sflag:s23], $0x4000  }
0x43: {  	[sflag:s23] =	ssyncset.done $0x0  }
0x44: {  	[sflag:s23] =	ssyncadd.s32 $0xFFFFC000  }
0x45: {  	[spmem:s3] =	stream.indirect.scatter.add.f32 [tilespmem:s20], [sflag:$0x6], $0x80, s19, s19, $0xb8;
	[tilespmem:$0x1C300] =	vst v63  }
0x46: {  	_ =	swait.ge [sflag:s15], $0x4000  }
0x47: {  	s31 =	sadd.s32 s30, s13;
	[sflag:s15] =	ssyncset.done $0x0  }
0x48: {  	s1 =	sadd.s32 $0x60, s31;
	[sflag:s15] =	ssyncadd.s32 $0xFFFFC000  }
0x49: {  	[tilespmem:s4], [sflag:$0x3] =	stream.linear.gather [hbm4b:s1+s4], $0x100, $0x38;
	[tilespmem:$0x1C300] =	vst v63  }
0x4a: {  	_ =	swait.ge [sflag:s24], $0x100  }
0x4b: {  	[sflag:s24] =	ssyncset.done $0x0  }
0x4c: {  	[sflag:s24] =	ssyncadd.s32 $0xFFFFFF00  }
0x4d: {  	[tilespmem:s20], [sflag:$0x1] =	stream.indirect.gather [hbm4b:s0+s19], $0x80, s17, s19, $0xb8;
	[tilespmem:$0x1C300] =	vst v63  }
0x4e: {  	_ =	swait.ge [sflag:s25], $0x4000  }
0x4f: {  	[sflag:s25] =	ssyncset.done $0x0  }
0x50: {  	[sflag:s25] =	ssyncadd.s32 $0xFFFFC000  }
0x51: {  	[spmem:s3] =	stream.indirect.scatter.add.f32 [tilespmem:s22], [sflag:$0x6], $0x80, s26, s19, $0xb8;
	[tilespmem:$0x1C300] =	vst v63  }
0x52: {  	_ =	swait.ge [sflag:s15], $0x4000  }
0x53: {  	[sflag:s15] =	ssyncset.done $0x0  }
0x54: {  	s2 =	sadd.s32 $0x80, s31;
	[sflag:s15] =	ssyncadd.s32 $0xFFFFC000  }
0x55: {  	[tilespmem:s16], [sflag:$0x4] =	stream.linear.gather [hbm4b:s2+s4], $0x100, $0x38;
	[tilespmem:$0x1C300] =	vst v63  }
0x56: {  	_ =	swait.ge [sflag:s18], $0x100  }
0x57: {  	[sflag:s18] =	ssyncset.done $0x0  }
0x58: {  	[sflag:s18] =	ssyncadd.s32 $0xFFFFFF00  }
0x59: {  	[tilespmem:s22], [sflag:$0x2] =	stream.indirect.gather [hbm4b:s0+s19], $0x80, s4, s19, $0xb8;
	[tilespmem:$0x1C300] =	vst v63  }
0x5a: {  	_ =	swait.ge [sflag:s23], $0x4000  }
0x5b: {  	[sflag:s23] =	ssyncset.done $0x0  }
0x5c: {  	[sflag:s23] =	ssyncadd.s32 $0xFFFFC000  }
0x5d: {  	[spmem:s3] =	stream.indirect.scatter.add.f32 [tilespmem:s20], [sflag:$0x6], $0x80, s28, s19, $0xb8;
	[tilespmem:$0x1C300] =	vst v63  }
0x5e: {  	_ =	swait.ge [sflag:s15], $0x4000  }
0x5f: {  	[sflag:s15] =	ssyncset.done $0x0  }
0x60: {  	s2 =	sadd.s32 $0xA0, s31;
	[sflag:s15] =	ssyncadd.s32 $0xFFFFC000  }
0x61: {  	[tilespmem:s17], [sflag:$0x5] =	stream.linear.gather [hbm4b:s2+s4], $0x100, $0x38;
	[tilespmem:$0x1C300] =	vst v63  }
0x62: {  	_ =	swait.ge [sflag:s21], $0x100  }
0x63: {  	[sflag:s21] =	ssyncset.done $0x0  }
0x64: {  	[sflag:s21] =	ssyncadd.s32 $0xFFFFFF00  }
0x65: {  	[tilespmem:s20], [sflag:$0x1] =	stream.indirect.gather [hbm4b:s0+s19], $0x80, s16, s19, $0xb8;
	[tilespmem:$0x1C300] =	vst v63  }
0x66: {  	_ =	swait.ge [sflag:s25], $0x4000  }
0x67: {  	[sflag:s25] =	ssyncset.done $0x0  }
0x68: {  	[sflag:s25] =	ssyncadd.s32 $0xFFFFC000  }
0x69: {  	[spmem:s3] =	stream.indirect.scatter.add.f32 [tilespmem:s22], [sflag:$0x6], $0x80, s19, s19, $0xb8;
	[tilespmem:$0x1C300] =	vst v63  }
0x6a: {  	p1 =	seq.s32 s30, $0x900;
	_ =	swait.ge [sflag:s15], $0x4000  }
0x6b: {  	s1 =	sadd.s32 @!p1 s30, s13;
	[sflag:s15] =	ssyncset.done $0x0  }
0x6c: {  	s1 =	sadd.s32 @!p1 $0xC0, s1;
	s2 =	simm.s32 @!p1 $0x0;
	[sflag:s15] =	ssyncadd.s32 $0xFFFFC000  }
0x6d: {  	[tilespmem:s2], [sflag:$0x3] =	stream.linear.gather @!p1 [hbm4b:s1+s2], $0x100, $0x38;
	[tilespmem:$0x1C300] =	vst v63  }
0x6e: {  	_ =	swait.ge [sflag:s24], $0x100  }
0x6f: {  	[sflag:s24] =	ssyncset.done $0x0  }
0x70: {  	[sflag:s24] =	ssyncadd.s32 $0xFFFFFF00  }
0x71: {  	[tilespmem:s22], [sflag:$0x2] =	stream.indirect.gather [hbm4b:s0+s19], $0x80, s17, s19, $0xb8;
	[tilespmem:$0x1C300] =	vst v63  }
0x72: {  	_ =	swait.ge [sflag:s23], $0x4000  }
0x73: {  	[sflag:s23] =	ssyncset.done $0x0  }
.Ltmp2:
0x74: {  	[sflag:s23] =	ssyncadd.s32 $0xFFFFC000;
	(pc) =	sbr.rel @p1 .LBB2_4-.Ltmp2, $4  }
0x75: {  	[spmem:s3] =	stream.indirect.scatter.add.f32 [tilespmem:s20], [sflag:$0x6], $0x80, s26, s19, $0xb8;
	[tilespmem:$0x1C300] =	vst v63  }
0x76: {  	_ =	swait.ge [sflag:s15], $0x4000  }
0x77: {  	[sflag:s15] =	ssyncset.done $0x0  }
0x78: {  	[sflag:s15] =	ssyncadd.s32 $0xFFFFC000  }
0x79: {  	s1 =	sadd.s32 $0xE0, s31  }
0x7a: {  	[tilespmem:s16], [sflag:$0x4] =	stream.linear.gather [hbm4b:s1+s4], $0x100, $0x38;
	[tilespmem:$0x1C300] =	vst v63  }
0x7b: {  	_ =	swait.ge [sflag:s18], $0x100  }
0x7c: {  	[sflag:s18] =	ssyncset.done $0x0  }
0x7d: {  	[sflag:s18] =	ssyncadd.s32 $0xFFFFFF00  }
0x7e: {  	[tilespmem:s20], [sflag:$0x1] =	stream.indirect.gather [hbm4b:s0+s19], $0x80, s4, s19, $0xb8;
	[tilespmem:$0x1C300] =	vst v63  }
0x7f: {  	_ =	swait.ge [sflag:s25], $0x4000  }
0x80: {  	[sflag:s25] =	ssyncset.done $0x0  }
0x81: {  	[sflag:s25] =	ssyncadd.s32 $0xFFFFC000  }
0x82: {  	[spmem:s3] =	stream.indirect.scatter.add.f32 [tilespmem:s22], [sflag:$0x6], $0x80, s28, s19, $0xb8;
	[tilespmem:$0x1C300] =	vst v63  }
0x83: {  	_ =	swait.ge [sflag:s15], $0x4000  }
0x84: {  	[sflag:s15] =	ssyncset.done $0x0  }
0x85: {  	s31 =	sadd.s32 $0x100, s31;
	[sflag:s15] =	ssyncadd.s32 $0xFFFFC000  }
0x86: {  	[tilespmem:s17], [sflag:$0x5] =	stream.linear.gather [hbm4b:s31+s4], $0x100, $0x38;
	[tilespmem:$0x1C300] =	vst v63  }
.Ltmp3:
0x87: {  	_ = 	snop;
	(pc) =	sbr.rel .LBB2_2-.Ltmp3, $4  }
0x88: {  	_ =	swait.ge [sflag:s21], $0x100  }
0x89: {  	[sflag:s21] =	ssyncset.done $0x0  }
0x8a: {  	s30 =	sadd.s32 $0xC0, s30;
	[sflag:s21] =	ssyncadd.s32 $0xFFFFFF00  }
0x8b: {  	[tilespmem:s22], [sflag:$0x2] =	stream.indirect.gather [hbm4b:s0+s19], $0x80, s16, s19, $0xb8;
	[tilespmem:$0x1C300] =	vst v63  }
.LBB2_5:
0x8c: {  	_ =	sfence.sel $0x180000  }
0x8d: {  	[bflag:$0x0] =	sbarrier.arrive $0xFFFF  }
0x8e: {  	_ =	strace $0x9000004A  }
0x8f: {  	s0 =	stileid.u32;
	[bflag:$0x2] =	sbarrier.arrive $0xFFFF  }
0x90: {  	p0 =	sne.s32 s0, $0x0;
	s0 =	rddreg [dreg:$0x4]  }
0x91: {  	s0 =	sadd.s32 @!p0 $0x100000, s0  }
0x92: {  	[sflag:s0] =	ssyncadd.tile.s32 @!p0 $0x1;
	_ =	shalt  }
.Lfunc_end2:
_tile_overlayer_lowered:
.L_overlay_start_2:
0x93: {  	(tag) =	ssettag $0x2  }
0x94: {  	s0 =	rddreg [dreg:$0x0];
	s2 =	stileid.u32  }
0x95: {  	s1 =	rddreg [dreg:$0x1];
	p0 =	sne.s32 s2, $0x0  }
0x96: {  	s3 =	rddreg [dreg:$0x2];
	[bflag:$0x3] =	sbarrier.arrive $0xFFFF;
	s2 =	simm.s32 @!p0 $0x1C06  }
0x97: {  	[timem:s3], [sflag:s2] =	dma.local @!p0 [hbm:s0], s1  }
0x98: {  	s0 =	simm.s32 @!p0 $0x6  }
0x99: {  	_ =	swait.ge @!p0 [sflag:s0], s1  }
0x9a: {  	s1 =	ssub.s32 @!p0 $0x0, s1;
	[sflag:s0] =	ssyncset.done @!p0 $0x0  }
0x9b: {  	[sflag:s0] =	ssyncadd.s32 @!p0 s1  }
0x9c: {  	[bflag:$0x3] =	sbarrier.arrive $0xFFFF  }
0x9d: {  	_ =	shalt  }

</sc_bundles>
